<compile_context>
chip_gen: v7x
topology: tpu7x:2x2x1
jax: 0.10.2.dev20260603
libtpu: 0.0.44.dev20260713+nightly
codegen_flags: <defaults>
</compile_context>

<pallas_src>
import functools

import jax
import jax.numpy as jnp
from jax import lax
from jax.experimental import pallas as pl
from jax.experimental.pallas import tpu as pltpu
from jax.experimental.pallas import tpu_sc as plsc

E = 8
H = 768
F = 2048
TT = 768
NTP = 14
PR = NTP * TT
LB_W = 0.01


def _gate_body(x_ref, gw_ref, pos1_ref, pos2_ref, w1x_ref, w2x_ref,
               te_ref, send_ref, aux_ref):
    x = x_ref[...]
    gw = gw_ref[...]
    s = x.shape[0]
    logits = jax.lax.dot_general(
        x, gw, (((1,), (1,)), ((), ())), preferred_element_type=jnp.float32)
    m = jnp.max(logits, axis=-1, keepdims=True)
    ex = jnp.exp(logits - m)
    probs = ex / jnp.sum(ex, axis=-1, keepdims=True)

    iota = jax.lax.broadcasted_iota(jnp.int32, probs.shape, 1)
    p1 = jnp.max(probs, axis=-1, keepdims=True)
    idx1 = jnp.min(jnp.where(probs == p1, iota, E), axis=-1, keepdims=True)
    oh1 = (iota == idx1)
    masked = jnp.where(oh1, -jnp.inf, probs)
    p2 = jnp.max(masked, axis=-1, keepdims=True)
    idx2 = jnp.min(jnp.where(masked == p2, iota, E), axis=-1, keepdims=True)
    oh2 = (iota == idx2)

    denom = p1 + p2 + 1e-9
    oh1f = oh1.astype(jnp.float32)
    oh2f = oh2.astype(jnp.float32)
    w1x_ref[...] = jnp.broadcast_to(p1 / denom, (s, 128))
    w2x_ref[...] = jnp.broadcast_to(p2 / denom, (s, 128))

    sf = jnp.float32(s)
    f = jnp.sum(oh1f + oh2f, axis=0) / sf
    pmean = jnp.sum(probs, axis=0) / sf
    aux_ref[...] = jnp.reshape(LB_W * E * jnp.sum(f * pmean), (1, 1))

    O = jnp.concatenate([oh1f, oh2f], axis=0)
    a2 = 2 * s
    CH = 512
    ri = jax.lax.broadcasted_iota(jnp.int32, (CH, CH), 0)
    ci = jax.lax.broadcasted_iota(jnp.int32, (CH, CH), 1)
    L = (ci < ri).astype(jnp.bfloat16)
    running = jnp.zeros((1, E), jnp.float32)
    parts = []
    for c in range(a2 // CH):
        oc = O[c * CH:(c + 1) * CH]
        rc = jax.lax.dot_general(
            L, oc.astype(jnp.bfloat16), (((1,), (0,)), ((), ())),
            preferred_element_type=jnp.float32)
        parts.append(rc + running)
        running = running + jnp.sum(oc, axis=0, keepdims=True)
    rank = jnp.concatenate(parts, axis=0)

    counts = jnp.sum(O, axis=0, keepdims=True)
    pcounts = jnp.ceil(counts / TT) * TT
    ce = jax.lax.broadcasted_iota(jnp.int32, (E, E), 0)
    cc = jax.lax.broadcasted_iota(jnp.int32, (E, E), 1)
    tri = (ce < cc).astype(jnp.float32)
    offs_pad = jax.lax.dot_general(
        pcounts, tri, (((1,), (0,)), ((), ())),
        preferred_element_type=jnp.float32)

    pos = jnp.sum(O * (rank + offs_pad), axis=1, keepdims=True)
    posi = pos.astype(jnp.int32)
    pos1_ref[...] = posi[:s]
    pos2_ref[...] = posi[s:]

    tstart = (jax.lax.broadcasted_iota(jnp.int32, (1, NTP), 1) * TT
              ).astype(jnp.float32)
    op_col = jnp.broadcast_to(offs_pad.reshape(E, 1), (E, NTP))
    te = jnp.sum((op_col <= tstart).astype(jnp.float32), axis=0,
                 keepdims=True) - 1.0
    seg_end = offs_pad + counts
    te_b = jnp.broadcast_to(te, (E, NTP))
    e_col = jax.lax.broadcasted_iota(jnp.int32, (E, NTP), 0).astype(jnp.float32)
    send = jnp.sum(jnp.where(te_b == e_col,
                             jnp.broadcast_to(seg_end.reshape(E, 1), (E, NTP)),
                             0.0), axis=0, keepdims=True)
    te_ref[...] = te.astype(jnp.int32)
    send_ref[...] = send.astype(jnp.int32)


def _ffn_body(te_ref, send_ref, xg_ref, ws_ref, wgu_ref, wd_ref, y_ref,
              wgub_s, wdb_s):
    n = pl.program_id(0)
    e = te_ref[n]
    seg_end = send_ref[n]
    prev_e = jnp.where(n == 0, -1, te_ref[jnp.maximum(n - 1, 0)])

    @pl.when(e != prev_e)
    def _():
        wgub_s[...] = wgu_ref[0].astype(jnp.bfloat16)
        wdb_s[...] = wd_ref[0].astype(jnp.bfloat16)

    used = seg_end > n * TT

    @pl.when(used)
    def _():
        ri = jax.lax.broadcasted_iota(jnp.int32, (TT, 1), 0) + n * TT
        rmask = ri < seg_end
        x = jnp.where(rmask, xg_ref[...], 0.0).astype(jnp.bfloat16)
        gu = jnp.dot(x, wgub_s[...], preferred_element_type=jnp.float32)
        g = gu[:, :F]
        u = gu[:, F:]
        act = (g * jax.nn.sigmoid(g) * u).astype(jnp.bfloat16)
        y = jnp.dot(act, wdb_s[...], preferred_element_type=jnp.float32)
        ws = jnp.where(rmask, ws_ref[:, 0:1], 0.0)
        y_ref[...] = y * ws

    @pl.when(jnp.logical_not(used))
    def _():
        y_ref[...] = jnp.zeros_like(y_ref)


_info = plsc.get_sparse_core_info()
_NC = _info.num_cores
_NS = _info.num_subcores
_NW = _NC * _NS


def _make_scatter(s, h):
    tpw = s // _NW
    mesh = plsc.VectorSubcoreMesh(core_axis_name="c", subcore_axis_name="s")

    @functools.partial(
        pl.kernel, mesh=mesh,
        out_type=[
            jax.ShapeDtypeStruct((PR, h), jnp.float32),
            jax.ShapeDtypeStruct((PR, 128), jnp.float32),
        ],
        scratch_types=[
            pltpu.VMEM((tpw,), jnp.int32),
            pltpu.VMEM((tpw,), jnp.int32),
            pltpu.VMEM((tpw, h), jnp.float32),
            pltpu.VMEM((tpw, 128), jnp.float32),
            pltpu.VMEM((tpw, 128), jnp.float32),
            pltpu.SemaphoreType.DMA,
        ],
    )
    def k(x_hbm, pos1_hbm, pos2_hbm, w1x_hbm, w2x_hbm, xg_hbm, ws_hbm,
          idx1_v, idx2_v, xv, w1v, w2v, sem):
        wid = lax.axis_index("s") * _NC + lax.axis_index("c")
        base = wid * tpw
        pltpu.sync_copy(pos1_hbm.at[pl.ds(base, tpw)], idx1_v)
        pltpu.sync_copy(pos2_hbm.at[pl.ds(base, tpw)], idx2_v)
        pltpu.sync_copy(x_hbm.at[pl.ds(base, tpw), :], xv)
        pltpu.sync_copy(w1x_hbm.at[pl.ds(base, tpw), :], w1v)
        pltpu.sync_copy(w2x_hbm.at[pl.ds(base, tpw), :], w2v)
        c1 = pltpu.async_copy(xv, xg_hbm.at[idx1_v], sem)
        c2 = pltpu.async_copy(xv, xg_hbm.at[idx2_v], sem)
        c3 = pltpu.async_copy(w1v, ws_hbm.at[idx1_v], sem)
        c4 = pltpu.async_copy(w2v, ws_hbm.at[idx2_v], sem)
        c1.wait()
        c2.wait()
        c3.wait()
        c4.wait()

    return k


def _make_combine(s, h):
    tpw = s // _NW
    half = tpw // 2
    mesh = plsc.VectorSubcoreMesh(core_axis_name="c", subcore_axis_name="s")

    @functools.partial(
        pl.kernel, mesh=mesh,
        out_type=jax.ShapeDtypeStruct((s, h), jnp.float32),
        scratch_types=[
            pltpu.VMEM((half,), jnp.int32),
            pltpu.VMEM((half,), jnp.int32),
            pltpu.VMEM((half, h), jnp.float32),
            pltpu.VMEM((half, h), jnp.float32),
            pltpu.SemaphoreType.DMA,
        ],
    )
    def k(y_hbm, pos1_hbm, pos2_hbm, out_hbm, i1, i2, r1, r2, sem):
        wid = lax.axis_index("s") * _NC + lax.axis_index("c")

        def chunk(ci, carry):
            base = wid * tpw + ci * half
            pltpu.sync_copy(pos1_hbm.at[pl.ds(base, half)], i1)
            pltpu.sync_copy(pos2_hbm.at[pl.ds(base, half)], i2)
            pltpu.async_copy(y_hbm.at[i1], r1, sem).wait()
            pltpu.async_copy(y_hbm.at[i2], r2, sem).wait()

            def row(r, carry2):
                for c in range(h // 16):
                    sl = pl.ds(c * 16, 16)
                    r1[r, sl] = r1[r, sl] + r2[r, sl]
                return carry2

            lax.fori_loop(0, half, row, 0)
            pltpu.sync_copy(r1, out_hbm.at[pl.ds(base, half), :])
            return carry

        lax.fori_loop(0, 2, chunk, 0)

    return k


def kernel(x, gate_w, w_gate_up, w_down):
    b, s, h = x.shape
    x_flat = x.reshape(s, h)

    pos1, pos2, w1x, w2x, te, send, aux = pl.pallas_call(
        _gate_body,
        out_shape=[
            jax.ShapeDtypeStruct((s, 1), jnp.int32),
            jax.ShapeDtypeStruct((s, 1), jnp.int32),
            jax.ShapeDtypeStruct((s, 128), jnp.float32),
            jax.ShapeDtypeStruct((s, 128), jnp.float32),
            jax.ShapeDtypeStruct((1, NTP), jnp.int32),
            jax.ShapeDtypeStruct((1, NTP), jnp.int32),
            jax.ShapeDtypeStruct((1, 1), jnp.float32),
        ],
        compiler_params=pltpu.CompilerParams(
            vmem_limit_bytes=120 * 1024 * 1024,
        ),
    )(x_flat, gate_w)

    p1 = pos1.reshape(s)
    p2 = pos2.reshape(s)
    xg, wsort = _make_scatter(s, h)(x_flat, p1, p2, w1x, w2x)

    grid_spec = pltpu.PrefetchScalarGridSpec(
        num_scalar_prefetch=2,
        grid=(NTP,),
        in_specs=[
            pl.BlockSpec((TT, H), lambda n, te, send: (n, 0)),
            pl.BlockSpec((TT, 128), lambda n, te, send: (n, 0)),
            pl.BlockSpec((1, H, 2 * F), lambda n, te, send: (te[n], 0, 0)),
            pl.BlockSpec((1, F, H), lambda n, te, send: (te[n], 0, 0)),
        ],
        out_specs=pl.BlockSpec((TT, H), lambda n, te, send: (n, 0)),
        scratch_shapes=[
            pltpu.VMEM((H, 2 * F), jnp.bfloat16),
            pltpu.VMEM((F, H), jnp.bfloat16),
        ],
    )
    y = pl.pallas_call(
        _ffn_body,
        grid_spec=grid_spec,
        out_shape=jax.ShapeDtypeStruct((PR, H), jnp.float32),
        compiler_params=pltpu.CompilerParams(
            vmem_limit_bytes=120 * 1024 * 1024,
        ),
    )(te.reshape(NTP), send.reshape(NTP), xg, wsort, w_gate_up, w_down)

    out = _make_combine(s, h)(y, p1, p2)
    return out.reshape(b, s, h), aux[0, 0]

# --- scband reference (transcript-rebuilt; emitter-appended) ---
"""Pipeline reference for scband-mo-effnlayer-17970143167046 (READ-ONLY COPY).

The authoritative reference and input builder live on the scoring server;
editing this copy changes nothing except your own understanding.
"""

import jax, jax.numpy as jnp
import numpy as np

NUM_EXPERTS = 8
TOP_K = 2
HIDDEN = 768
INTER = 2048
NUM_LAYERS = 24
TEMP = 1.0
LB_W = 0.01
BATCH = 1
SEQ = 2048


def setup_inputs(seed: int = 0) -> dict:
    key = jax.random.key(seed)
    k0, k1, k2, k3 = jax.random.split(key, 4)
    x = jax.random.normal(k0, (BATCH, SEQ, HIDDEN), dtype=jnp.float32)
    # gate: nn.Linear(hidden, num_experts, bias=False), init std=0.01
    gate_w = jax.random.normal(k1, (NUM_EXPERTS, HIDDEN), dtype=jnp.float32) * 0.01
    std = 0.02
    # gate_up_proj: nn.Linear(hidden, 2*inter, bias=False) per expert; stacked [E, hidden, 2*inter]
    w_gate_up = jax.random.normal(k2, (NUM_EXPERTS, HIDDEN, 2 * INTER), dtype=jnp.float32) * std
    down_std = std / np.sqrt(2 * NUM_LAYERS)
    # down_proj: nn.Linear(inter, hidden, bias=False); stacked [E, inter, hidden]
    w_down = jax.random.normal(k3, (NUM_EXPERTS, INTER, HIDDEN), dtype=jnp.float32) * down_std
    return {"x": x, "gate_w": gate_w, "w_gate_up": w_gate_up, "w_down": w_down}


def reference(x, gate_w, w_gate_up, w_down):
    b, s, h = x.shape
    x_flat = x.reshape(-1, h)
    total_tokens = x_flat.shape[0]
    # gate logits / temperature (inference: no routing noise)
    gate_logits = x_flat @ gate_w.T
    gate_logits = gate_logits / TEMP
    gate_probs = jax.nn.softmax(gate_logits, axis=-1)
    top_k_probs, top_k_indices = jax.lax.top_k(gate_probs, TOP_K)
    top_k_probs = top_k_probs / (top_k_probs.sum(axis=-1, keepdims=True) + 1e-9)
    # per-token combine weights over experts [tokens, E]
    onehot = jax.nn.one_hot(top_k_indices, NUM_EXPERTS, dtype=x_flat.dtype)  # [t, k, E]
    combine = (top_k_probs[..., None] * onehot).sum(axis=1)  # [t, E]
    # SwiGLU experts (dense formulation, mathematically equal to masked routing)
    gu = jnp.einsum('td,edf->etf', x_flat, w_gate_up)  # [E, t, 2*inter]
    gate_part, up_part = jnp.split(gu, 2, axis=-1)
    hidden_act = jax.nn.silu(gate_part) * up_part  # [E, t, inter]
    expert_out = jnp.einsum('etf,efd->etd', hidden_act, w_down)  # [E, t, h]
    output = jnp.einsum('te,etd->td', combine, expert_out)  # [t, h]
    # auxiliary load-balancing loss: alpha * num_experts * sum_i f_i * P_i
    f = onehot.sum(axis=1).mean(axis=0)  # fraction of tokens routed to each expert
    P = gate_probs.mean(axis=0)  # average gate probability per expert
    aux_loss = LB_W * NUM_EXPERTS * jnp.sum(f * P)
    return output.reshape(b, s, h), aux_loss

if __name__ == "__main__":
    import jax
    _d = setup_inputs()
    print(jax.jit(kernel)(*tuple(_d.values())))

</pallas_src>

<mosaic_0001>
#map = affine_map<(d0, d1) -> (0, 0)>
#map1 = affine_map<(d0, d1) -> (0)>
module attributes {stable_mosaic.version = 14 : i64} {
  func.func @k(%arg0: i32, %arg1: i32, %arg2: memref<10752x768xf32, #tpu.memory_space<hbm>>, %arg3: memref<2048xi32, #tpu.memory_space<hbm>>, %arg4: memref<2048xi32, #tpu.memory_space<hbm>>, %arg5: memref<2048x768xf32, #tpu.memory_space<hbm>>, %arg6: memref<32xi32, #tpu.memory_space<vmem>>, %arg7: memref<32xi32, #tpu.memory_space<vmem>>, %arg8: memref<32x768xf32, #tpu.memory_space<vmem>>, %arg9: memref<32x768xf32, #tpu.memory_space<vmem>>, %arg10: memref<!tpu.dma_semaphore, #tpu.memory_space<semaphore_mem>>) attributes {dimension_semantics = [#tpu.dimension_semantics<core_parallel>, #tpu.dimension_semantics<subcore_parallel>], iteration_bounds = array<i64: 2, 16>, scalar_prefetch = 0 : i64, scratch_operands = 5 : i64, tpu.core_type = #tpu.core_type<sc_vector_subcore>, window_params = [{transform_indices = #map}, {transform_indices = #map1}, {transform_indices = #map1}, {transform_indices = #map}]} {
    %mul3A = arith.constant 2 : i32
    %mul3A_0 = arith.muli %arg1, %mul3A : i32
    %add3A = arith.addi %mul3A_0, %arg0 : i32
    %scan3A = arith.constant 0 : i32
    %scan3A_1 = arith.constant 0 : i32
    %scan3A_2 = arith.constant 2 : i32
    %scan3A_3 = arith.addi %scan3A_1, %scan3A_2 : i32
    %scan3A_4 = arith.constant 1 : i32
    scf.for %scan3A_6 = %scan3A_1 to %scan3A_3 step %scan3A_4  : i32 {
      %mul3A_7 = arith.constant 64 : i32
      %mul3A_8 = arith.muli %add3A, %mul3A_7 : i32
      %mul3A_9 = arith.constant 32 : i32
      %mul3A_10 = arith.muli %scan3A_6, %mul3A_9 : i32
      %add3A_11 = arith.addi %mul3A_8, %mul3A_10 : i32
      "tpu.region"() ({
        %run_scoped3A = tpu.sem_alloc : memref<!tpu.dma_semaphore, #tpu.memory_space<semaphore_mem>>
        %dma_start3A_28 = tpu.memref_slice %arg3[%add3A_11] : memref<2048xi32, #tpu.memory_space<hbm>> -> memref<32xi32, #tpu.memory_space<hbm>>
        %dma_start3A_29 = tpu.memref_slice %arg3[%add3A_11] : memref<2048xi32, #tpu.memory_space<hbm>> -> memref<32xi32, #tpu.memory_space<hbm>>
        tpu.enqueue_dma source(%dma_start3A_29 : memref<32xi32, #tpu.memory_space<hbm>>) target(%arg6 : memref<32xi32, #tpu.memory_space<vmem>>) target_semaphore(%run_scoped3A : memref<!tpu.dma_semaphore, #tpu.memory_space<semaphore_mem>>)
        %dma_wait3A_30 = tpu.memref_slice %arg3[%add3A_11] : memref<2048xi32, #tpu.memory_space<hbm>> -> memref<32xi32, #tpu.memory_space<hbm>>
        %dma_wait3A_31 = tpu.memref_slice %arg3[%add3A_11] : memref<2048xi32, #tpu.memory_space<hbm>> -> memref<32xi32, #tpu.memory_space<hbm>>
        tpu.wait_dma2 semaphore(%run_scoped3A : memref<!tpu.dma_semaphore, #tpu.memory_space<semaphore_mem>>) src(%dma_wait3A_31 : memref<32xi32, #tpu.memory_space<hbm>>) dst(%arg6 : memref<32xi32, #tpu.memory_space<vmem>>)
        tpu.yield
      }) : () -> ()
      "tpu.region"() ({
        %run_scoped3A = tpu.sem_alloc : memref<!tpu.dma_semaphore, #tpu.memory_space<semaphore_mem>>
        %dma_start3A_28 = tpu.memref_slice %arg4[%add3A_11] : memref<2048xi32, #tpu.memory_space<hbm>> -> memref<32xi32, #tpu.memory_space<hbm>>
        %dma_start3A_29 = tpu.memref_slice %arg4[%add3A_11] : memref<2048xi32, #tpu.memory_space<hbm>> -> memref<32xi32, #tpu.memory_space<hbm>>
        tpu.enqueue_dma source(%dma_start3A_29 : memref<32xi32, #tpu.memory_space<hbm>>) target(%arg7 : memref<32xi32, #tpu.memory_space<vmem>>) target_semaphore(%run_scoped3A : memref<!tpu.dma_semaphore, #tpu.memory_space<semaphore_mem>>)
        %dma_wait3A_30 = tpu.memref_slice %arg4[%add3A_11] : memref<2048xi32, #tpu.memory_space<hbm>> -> memref<32xi32, #tpu.memory_space<hbm>>
        %dma_wait3A_31 = tpu.memref_slice %arg4[%add3A_11] : memref<2048xi32, #tpu.memory_space<hbm>> -> memref<32xi32, #tpu.memory_space<hbm>>
        tpu.wait_dma2 semaphore(%run_scoped3A : memref<!tpu.dma_semaphore, #tpu.memory_space<semaphore_mem>>) src(%dma_wait3A_31 : memref<32xi32, #tpu.memory_space<hbm>>) dst(%arg7 : memref<32xi32, #tpu.memory_space<vmem>>)
        tpu.yield
      }) : () -> ()
      %dma_start3A = arith.constant 0 : i32
      %dma_start3A_12 = arith.constant 0 : i32
      %dma_start3A_13 = tpu.memref_slice %arg2[%dma_start3A, %dma_start3A_12] : memref<10752x768xf32, #tpu.memory_space<hbm>> -> memref<10752x768xf32, #tpu.memory_space<hbm>>
      tpu.enqueue_indirect_dma source(%dma_start3A_13 : memref<10752x768xf32, #tpu.memory_space<hbm>>) target(%arg8 : memref<32x768xf32, #tpu.memory_space<vmem>>) offsets(%arg6 : memref<32xi32, #tpu.memory_space<vmem>>) semaphore(%arg10 : memref<!tpu.dma_semaphore, #tpu.memory_space<semaphore_mem>>)
      %dma_wait3A = arith.constant 0 : i32
      %dma_wait3A_14 = arith.constant 0 : i32
      %dma_wait3A_15 = tpu.memref_slice %arg2[%dma_wait3A, %dma_wait3A_14] : memref<10752x768xf32, #tpu.memory_space<hbm>> -> memref<10752x768xf32, #tpu.memory_space<hbm>>
      tpu.wait_indirect_dma semaphore(%arg10 : memref<!tpu.dma_semaphore, #tpu.memory_space<semaphore_mem>>) src(%dma_wait3A_15 : memref<10752x768xf32, #tpu.memory_space<hbm>>) dst(%arg8 : memref<32x768xf32, #tpu.memory_space<vmem>>)
      %dma_start3A_16 = arith.constant 0 : i32
      %dma_start3A_17 = arith.constant 0 : i32
      %dma_start3A_18 = tpu.memref_slice %arg2[%dma_start3A_16, %dma_start3A_17] : memref<10752x768xf32, #tpu.memory_space<hbm>> -> memref<10752x768xf32, #tpu.memory_space<hbm>>
      tpu.enqueue_indirect_dma source(%dma_start3A_18 : memref<10752x768xf32, #tpu.memory_space<hbm>>) target(%arg9 : memref<32x768xf32, #tpu.memory_space<vmem>>) offsets(%arg7 : memref<32xi32, #tpu.memory_space<vmem>>) semaphore(%arg10 : memref<!tpu.dma_semaphore, #tpu.memory_space<semaphore_mem>>)
      %dma_wait3A_19 = arith.constant 0 : i32
      %dma_wait3A_20 = arith.constant 0 : i32
      %dma_wait3A_21 = tpu.memref_slice %arg2[%dma_wait3A_19, %dma_wait3A_20] : memref<10752x768xf32, #tpu.memory_space<hbm>> -> memref<10752x768xf32, #tpu.memory_space<hbm>>
      tpu.wait_indirect_dma semaphore(%arg10 : memref<!tpu.dma_semaphore, #tpu.memory_space<semaphore_mem>>) src(%dma_wait3A_21 : memref<10752x768xf32, #tpu.memory_space<hbm>>) dst(%arg9 : memref<32x768xf32, #tpu.memory_space<vmem>>)
      %scan3A_22 = arith.constant 0 : i32
      %scan3A_23 = arith.constant 0 : i32
      %scan3A_24 = arith.constant 32 : i32
      %scan3A_25 = arith.addi %scan3A_23, %scan3A_24 : i32
      %scan3A_26 = arith.constant 1 : i32
      scf.for %scan3A_28 = %scan3A_23 to %scan3A_25 step %scan3A_26  : i32 {
        %get3A = arith.index_cast %scan3A_28 : i32 to index
        %get3A_29 = arith.constant 0 : index
        %get3A_30 = tpu.vector_load %arg8[%get3A, %get3A_29] {strides = array<i32>} : memref<32x768xf32, #tpu.memory_space<vmem>>, vector<1x16xf32>,
        %get3A_31 = vector.shape_cast %get3A_30 : vector<1x16xf32> to vector<16xf32>
        %get3A_32 = arith.index_cast %scan3A_28 : i32 to index
        %get3A_33 = arith.constant 0 : index
        %get3A_34 = tpu.vector_load %arg9[%get3A_32, %get3A_33] {strides = array<i32>} : memref<32x768xf32, #tpu.memory_space<vmem>>, vector<1x16xf32>,
        %get3A_35 = vector.shape_cast %get3A_34 : vector<1x16xf32> to vector<16xf32>
        %add3A_36 = arith.addf %get3A_31, %get3A_35 : vector<16xf32>
        %swap3A = arith.index_cast %scan3A_28 : i32 to index
        %swap3A_37 = arith.constant 0 : index
        %swap3A_38 = tpu.vector_load %arg8[%swap3A, %swap3A_37] {strides = array<i32>} : memref<32x768xf32, #tpu.memory_space<vmem>>, vector<1x16xf32>,
        %swap3A_39 = vector.shape_cast %swap3A_38 : vector<1x16xf32> to vector<16xf32>
        %swap3A_40 = vector.shape_cast %add3A_36 : vector<16xf32> to vector<1x16xf32>
        tpu.vector_store %arg8[%swap3A, %swap3A_37], %swap3A_40 {strides = array<i32>} : memref<32x768xf32, #tpu.memory_space<vmem>>, vector<1x16xf32>,
        %get3A_41 = arith.index_cast %scan3A_28 : i32 to index
        %get3A_42 = arith.constant 16 : index
        %get3A_43 = tpu.vector_load %arg8[%get3A_41, %get3A_42] {strides = array<i32>} : memref<32x768xf32, #tpu.memory_space<vmem>>, vector<1x16xf32>,
        %get3A_44 = vector.shape_cast %get3A_43 : vector<1x16xf32> to vector<16xf32>
        %get3A_45 = arith.index_cast %scan3A_28 : i32 to index
        %get3A_46 = arith.constant 16 : index
        %get3A_47 = tpu.vector_load %arg9[%get3A_45, %get3A_46] {strides = array<i32>} : memref<32x768xf32, #tpu.memory_space<vmem>>, vector<1x16xf32>,
        %get3A_48 = vector.shape_cast %get3A_47 : vector<1x16xf32> to vector<16xf32>
        %add3A_49 = arith.addf %get3A_44, %get3A_48 : vector<16xf32>
        %swap3A_50 = arith.index_cast %scan3A_28 : i32 to index
        %swap3A_51 = arith.constant 16 : index
        %swap3A_52 = tpu.vector_load %arg8[%swap3A_50, %swap3A_51] {strides = array<i32>} : memref<32x768xf32, #tpu.memory_space<vmem>>, vector<1x16xf32>,
        %swap3A_53 = vector.shape_cast %swap3A_52 : vector<1x16xf32> to vector<16xf32>
        %swap3A_54 = vector.shape_cast %add3A_49 : vector<16xf32> to vector<1x16xf32>
        tpu.vector_store %arg8[%swap3A_50, %swap3A_51], %swap3A_54 {strides = array<i32>} : memref<32x768xf32, #tpu.memory_space<vmem>>, vector<1x16xf32>,
        %get3A_55 = arith.index_cast %scan3A_28 : i32 to index
        %get3A_56 = arith.constant 32 : index
        %get3A_57 = tpu.vector_load %arg8[%get3A_55, %get3A_56] {strides = array<i32>} : memref<32x768xf32, #tpu.memory_space<vmem>>, vector<1x16xf32>,
        %get3A_58 = vector.shape_cast %get3A_57 : vector<1x16xf32> to vector<16xf32>
        %get3A_59 = arith.index_cast %scan3A_28 : i32 to index
        %get3A_60 = arith.constant 32 : index
        %get3A_61 = tpu.vector_load %arg9[%get3A_59, %get3A_60] {strides = array<i32>} : memref<32x768xf32, #tpu.memory_space<vmem>>, vector<1x16xf32>,
        %get3A_62 = vector.shape_cast %get3A_61 : vector<1x16xf32> to vector<16xf32>
        %add3A_63 = arith.addf %get3A_58, %get3A_62 : vector<16xf32>
        %swap3A_64 = arith.index_cast %scan3A_28 : i32 to index
        %swap3A_65 = arith.constant 32 : index
        %swap3A_66 = tpu.vector_load %arg8[%swap3A_64, %swap3A_65] {strides = array<i32>} : memref<32x768xf32, #tpu.memory_space<vmem>>, vector<1x16xf32>,
        %swap3A_67 = vector.shape_cast %swap3A_66 : vector<1x16xf32> to vector<16xf32>
        %swap3A_68 = vector.shape_cast %add3A_63 : vector<16xf32> to vector<1x16xf32>
        tpu.vector_store %arg8[%swap3A_64, %swap3A_65], %swap3A_68 {strides = array<i32>} : memref<32x768xf32, #tpu.memory_space<vmem>>, vector<1x16xf32>,
        %get3A_69 = arith.index_cast %scan3A_28 : i32 to index
        %get3A_70 = arith.constant 48 : index
        %get3A_71 = tpu.vector_load %arg8[%get3A_69, %get3A_70] {strides = array<i32>} : memref<32x768xf32, #tpu.memory_space<vmem>>, vector<1x16xf32>,
        %get3A_72 = vector.shape_cast %get3A_71 : vector<1x16xf32> to vector<16xf32>
        %get3A_73 = arith.index_cast %scan3A_28 : i32 to index
        %get3A_74 = arith.constant 48 : index
        %get3A_75 = tpu.vector_load %arg9[%get3A_73, %get3A_74] {strides = array<i32>} : memref<32x768xf32, #tpu.memory_space<vmem>>, vector<1x16xf32>,
        %get3A_76 = vector.shape_cast %get3A_75 : vector<1x16xf32> to vector<16xf32>
        %add3A_77 = arith.addf %get3A_72, %get3A_76 : vector<16xf32>
        %swap3A_78 = arith.index_cast %scan3A_28 : i32 to index
        %swap3A_79 = arith.constant 48 : index
        %swap3A_80 = tpu.vector_load %arg8[%swap3A_78, %swap3A_79] {strides = array<i32>} : memref<32x768xf32, #tpu.memory_space<vmem>>, vector<1x16xf32>,
        %swap3A_81 = vector.shape_cast %swap3A_80 : vector<1x16xf32> to vector<16xf32>
        %swap3A_82 = vector.shape_cast %add3A_77 : vector<16xf32> to vector<1x16xf32>
        tpu.vector_store %arg8[%swap3A_78, %swap3A_79], %swap3A_82 {strides = array<i32>} : memref<32x768xf32, #tpu.memory_space<vmem>>, vector<1x16xf32>,
        %get3A_83 = arith.index_cast %scan3A_28 : i32 to index
        %get3A_84 = arith.constant 64 : index
        %get3A_85 = tpu.vector_load %arg8[%get3A_83, %get3A_84] {strides = array<i32>} : memref<32x768xf32, #tpu.memory_space<vmem>>, vector<1x16xf32>,
        %get3A_86 = vector.shape_cast %get3A_85 : vector<1x16xf32> to vector<16xf32>
        %get3A_87 = arith.index_cast %scan3A_28 : i32 to index
        %get3A_88 = arith.constant 64 : index
        %get3A_89 = tpu.vector_load %arg9[%get3A_87, %get3A_88] {strides = array<i32>} : memref<32x768xf32, #tpu.memory_space<vmem>>, vector<1x16xf32>,
        %get3A_90 = vector.shape_cast %get3A_89 : vector<1x16xf32> to vector<16xf32>
        %add3A_91 = arith.addf %get3A_86, %get3A_90 : vector<16xf32>
        %swap3A_92 = arith.index_cast %scan3A_28 : i32 to index
        %swap3A_93 = arith.constant 64 : index
        %swap3A_94 = tpu.vector_load %arg8[%swap3A_92, %swap3A_93] {strides = array<i32>} : memref<32x768xf32, #tpu.memory_space<vmem>>, vector<1x16xf32>,
        %swap3A_95 = vector.shape_cast %swap3A_94 : vector<1x16xf32> to vector<16xf32>
        %swap3A_96 = vector.shape_cast %add3A_91 : vector<16xf32> to vector<1x16xf32>
        tpu.vector_store %arg8[%swap3A_92, %swap3A_93], %swap3A_96 {strides = array<i32>} : memref<32x768xf32, #tpu.memory_space<vmem>>, vector<1x16xf32>,
        %get3A_97 = arith.index_cast %scan3A_28 : i32 to index
        %get3A_98 = arith.constant 80 : index
        %get3A_99 = tpu.vector_load %arg8[%get3A_97, %get3A_98] {strides = array<i32>} : memref<32x768xf32, #tpu.memory_space<vmem>>, vector<1x16xf32>,
        %get3A_100 = vector.shape_cast %get3A_99 : vector<1x16xf32> to vector<16xf32>
        %get3A_101 = arith.index_cast %scan3A_28 : i32 to index
        %get3A_102 = arith.constant 80 : index
        %get3A_103 = tpu.vector_load %arg9[%get3A_101, %get3A_102] {strides = array<i32>} : memref<32x768xf32, #tpu.memory_space<vmem>>, vector<1x16xf32>,
        %get3A_104 = vector.shape_cast %get3A_103 : vector<1x16xf32> to vector<16xf32>
        %add3A_105 = arith.addf %get3A_100, %get3A_104 : vector<16xf32>
        %swap3A_106 = arith.index_cast %scan3A_28 : i32 to index
        %swap3A_107 = arith.constant 80 : index
        %swap3A_108 = tpu.vector_load %arg8[%swap3A_106, %swap3A_107] {strides = array<i32>} : memref<32x768xf32, #tpu.memory_space<vmem>>, vector<1x16xf32>,
        %swap3A_109 = vector.shape_cast %swap3A_108 : vector<1x16xf32> to vector<16xf32>
        %swap3A_110 = vector.shape_cast %add3A_105 : vector<16xf32> to vector<1x16xf32>
        tpu.vector_store %arg8[%swap3A_106, %swap3A_107], %swap3A_110 {strides = array<i32>} : memref<32x768xf32, #tpu.memory_space<vmem>>, vector<1x16xf32>,
        %get3A_111 = arith.index_cast %scan3A_28 : i32 to index
        %get3A_112 = arith.constant 96 : index
        %get3A_113 = tpu.vector_load %arg8[%get3A_111, %get3A_112] {strides = array<i32>} : memref<32x768xf32, #tpu.memory_space<vmem>>, vector<1x16xf32>,
        %get3A_114 = vector.shape_cast %get3A_113 : vector<1x16xf32> to vector<16xf32>
        %get3A_115 = arith.index_cast %scan3A_28 : i32 to index
        %get3A_116 = arith.constant 96 : index
        %get3A_117 = tpu.vector_load %arg9[%get3A_115, %get3A_116] {strides = array<i32>} : memref<32x768xf32, #tpu.memory_space<vmem>>, vector<1x16xf32>,
        %get3A_118 = vector.shape_cast %get3A_117 : vector<1x16xf32> to vector<16xf32>
        %add3A_119 = arith.addf %get3A_114, %get3A_118 : vector<16xf32>
        %swap3A_120 = arith.index_cast %scan3A_28 : i32 to index
        %swap3A_121 = arith.constant 96 : index
        %swap3A_122 = tpu.vector_load %arg8[%swap3A_120, %swap3A_121] {strides = array<i32>} : memref<32x768xf32, #tpu.memory_space<vmem>>, vector<1x16xf32>,
        %swap3A_123 = vector.shape_cast %swap3A_122 : vector<1x16xf32> to vector<16xf32>
        %swap3A_124 = vector.shape_cast %add3A_119 : vector<16xf32> to vector<1x16xf32>
        tpu.vector_store %arg8[%swap3A_120, %swap3A_121], %swap3A_124 {strides = array<i32>} : memref<32x768xf32, #tpu.memory_space<vmem>>, vector<1x16xf32>,
        %get3A_125 = arith.index_cast %scan3A_28 : i32 to index
        %get3A_126 = arith.constant 112 : index
        %get3A_127 = tpu.vector_load %arg8[%get3A_125, %get3A_126] {strides = array<i32>} : memref<32x768xf32, #tpu.memory_space<vmem>>, vector<1x16xf32>,
        %get3A_128 = vector.shape_cast %get3A_127 : vector<1x16xf32> to vector<16xf32>
        %get3A_129 = arith.index_cast %scan3A_28 : i32 to index
        %get3A_130 = arith.constant 112 : index
        %get3A_131 = tpu.vector_load %arg9[%get3A_129, %get3A_130] {strides = array<i32>} : memref<32x768xf32, #tpu.memory_space<vmem>>, vector<1x16xf32>,
        %get3A_132 = vector.shape_cast %get3A_131 : vector<1x16xf32> to vector<16xf32>
        %add3A_133 = arith.addf %get3A_128, %get3A_132 : vector<16xf32>
        %swap3A_134 = arith.index_cast %scan3A_28 : i32 to index
        %swap3A_135 = arith.constant 112 : index
        %swap3A_136 = tpu.vector_load %arg8[%swap3A_134, %swap3A_135] {strides = array<i32>} : memref<32x768xf32, #tpu.memory_space<vmem>>, vector<1x16xf32>,
        %swap3A_137 = vector.shape_cast %swap3A_136 : vector<1x16xf32> to vector<16xf32>
        %swap3A_138 = vector.shape_cast %add3A_133 : vector<16xf32> to vector<1x16xf32>
        tpu.vector_store %arg8[%swap3A_134, %swap3A_135], %swap3A_138 {strides = array<i32>} : memref<32x768xf32, #tpu.memory_space<vmem>>, vector<1x16xf32>,
        %get3A_139 = arith.index_cast %scan3A_28 : i32 to index
        %get3A_140 = arith.constant 128 : index
        %get3A_141 = tpu.vector_load %arg8[%get3A_139, %get3A_140] {strides = array<i32>} : memref<32x768xf32, #tpu.memory_space<vmem>>, vector<1x16xf32>,
        %get3A_142 = vector.shape_cast %get3A_141 : vector<1x16xf32> to vector<16xf32>
        %get3A_143 = arith.index_cast %scan3A_28 : i32 to index
        %get3A_144 = arith.constant 128 : index
        %get3A_145 = tpu.vector_load %arg9[%get3A_143, %get3A_144] {strides = array<i32>} : memref<32x768xf32, #tpu.memory_space<vmem>>, vector<1x16xf32>,
        %get3A_146 = vector.shape_cast %get3A_145 : vector<1x16xf32> to vector<16xf32>
        %add3A_147 = arith.addf %get3A_142, %get3A_146 : vector<16xf32>
        %swap3A_148 = arith.index_cast %scan3A_28 : i32 to index
        %swap3A_149 = arith.constant 128 : index
        %swap3A_150 = tpu.vector_load %arg8[%swap3A_148, %swap3A_149] {strides = array<i32>} : memref<32x768xf32, #tpu.memory_space<vmem>>, vector<1x16xf32>,
        %swap3A_151 = vector.shape_cast %swap3A_150 : vector<1x16xf32> to vector<16xf32>
        %swap3A_152 = vector.shape_cast %add3A_147 : vector<16xf32> to vector<1x16xf32>
        tpu.vector_store %arg8[%swap3A_148, %swap3A_149], %swap3A_152 {strides = array<i32>} : memref<32x768xf32, #tpu.memory_space<vmem>>, vector<1x16xf32>,
        %get3A_153 = arith.index_cast %scan3A_28 : i32 to index
        %get3A_154 = arith.constant 144 : index
        %get3A_155 = tpu.vector_load %arg8[%get3A_153, %get3A_154] {strides = array<i32>} : memref<32x768xf32, #tpu.memory_space<vmem>>, vector<1x16xf32>,
        %get3A_156 = vector.shape_cast %get3A_155 : vector<1x16xf32> to vector<16xf32>
        %get3A_157 = arith.index_cast %scan3A_28 : i32 to index
        %get3A_158 = arith.constant 144 : index
        %get3A_159 = tpu.vector_load %arg9[%get3A_157, %get3A_158] {strides = array<i32>} : memref<32x768xf32, #tpu.memory_space<vmem>>, vector<1x16xf32>,
        %get3A_160 = vector.shape_cast %get3A_159 : vector<1x16xf32> to vector<16xf32>
        %add3A_161 = arith.addf %get3A_156, %get3A_160 : vector<16xf32>
        %swap3A_162 = arith.index_cast %scan3A_28 : i32 to index
        %swap3A_163 = arith.constant 144 : index
        %swap3A_164 = tpu.vector_load %arg8[%swap3A_162, %swap3A_163] {strides = array<i32>} : memref<32x768xf32, #tpu.memory_space<vmem>>, vector<1x16xf32>,
        %swap3A_165 = vector.shape_cast %swap3A_164 : vector<1x16xf32> to vector<16xf32>
        %swap3A_166 = vector.shape_cast %add3A_161 : vector<16xf32> to vector<1x16xf32>
        tpu.vector_store %arg8[%swap3A_162, %swap3A_163], %swap3A_166 {strides = array<i32>} : memref<32x768xf32, #tpu.memory_space<vmem>>, vector<1x16xf32>,
        %get3A_167 = arith.index_cast %scan3A_28 : i32 to index
        %get3A_168 = arith.constant 160 : index
        %get3A_169 = tpu.vector_load %arg8[%get3A_167, %get3A_168] {strides = array<i32>} : memref<32x768xf32, #tpu.memory_space<vmem>>, vector<1x16xf32>,
        %get3A_170 = vector.shape_cast %get3A_169 : vector<1x16xf32> to vector<16xf32>
        %get3A_171 = arith.index_cast %scan3A_28 : i32 to index
        %get3A_172 = arith.constant 160 : index
        %get3A_173 = tpu.vector_load %arg9[%get3A_171, %get3A_172] {strides = array<i32>} : memref<32x768xf32, #tpu.memory_space<vmem>>, vector<1x16xf32>,
        %get3A_174 = vector.shape_cast %get3A_173 : vector<1x16xf32> to vector<16xf32>
        %add3A_175 = arith.addf %get3A_170, %get3A_174 : vector<16xf32>
        %swap3A_176 = arith.index_cast %scan3A_28 : i32 to index
        %swap3A_177 = arith.constant 160 : index
        %swap3A_178 = tpu.vector_load %arg8[%swap3A_176, %swap3A_177] {strides = array<i32>} : memref<32x768xf32, #tpu.memory_space<vmem>>, vector<1x16xf32>,
        %swap3A_179 = vector.shape_cast %swap3A_178 : vector<1x16xf32> to vector<16xf32>
        %swap3A_180 = vector.shape_cast %add3A_175 : vector<16xf32> to vector<1x16xf32>
        tpu.vector_store %arg8[%swap3A_176, %swap3A_177], %swap3A_180 {strides = array<i32>} : memref<32x768xf32, #tpu.memory_space<vmem>>, vector<1x16xf32>,
        %get3A_181 = arith.index_cast %scan3A_28 : i32 to index
        %get3A_182 = arith.constant 176 : index
        %get3A_183 = tpu.vector_load %arg8[%get3A_181, %get3A_182] {strides = array<i32>} : memref<32x768xf32, #tpu.memory_space<vmem>>, vector<1x16xf32>,
        %get3A_184 = vector.shape_cast %get3A_183 : vector<1x16xf32> to vector<16xf32>
        %get3A_185 = arith.index_cast %scan3A_28 : i32 to index
        %get3A_186 = arith.constant 176 : index
        %get3A_187 = tpu.vector_load %arg9[%get3A_185, %get3A_186] {strides = array<i32>} : memref<32x768xf32, #tpu.memory_space<vmem>>, vector<1x16xf32>,
        %get3A_188 = vector.shape_cast %get3A_187 : vector<1x16xf32> to vector<16xf32>
        %add3A_189 = arith.addf %get3A_184, %get3A_188 : vector<16xf32>
        %swap3A_190 = arith.index_cast %scan3A_28 : i32 to index
        %swap3A_191 = arith.constant 176 : index
        %swap3A_192 = tpu.vector_load %arg8[%swap3A_190, %swap3A_191] {strides = array<i32>} : memref<32x768xf32, #tpu.memory_space<vmem>>, vector<1x16xf32>,
        %swap3A_193 = vector.shape_cast %swap3A_192 : vector<1x16xf32> to vector<16xf32>
        %swap3A_194 = vector.shape_cast %add3A_189 : vector<16xf32> to vector<1x16xf32>
        tpu.vector_store %arg8[%swap3A_190, %swap3A_191], %swap3A_194 {strides = array<i32>} : memref<32x768xf32, #tpu.memory_space<vmem>>, vector<1x16xf32>,
        %get3A_195 = arith.index_cast %scan3A_28 : i32 to index
        %get3A_196 = arith.constant 192 : index
        %get3A_197 = tpu.vector_load %arg8[%get3A_195, %get3A_196] {strides = array<i32>} : memref<32x768xf32, #tpu.memory_space<vmem>>, vector<1x16xf32>,
        %get3A_198 = vector.shape_cast %get3A_197 : vector<1x16xf32> to vector<16xf32>
        %get3A_199 = arith.index_cast %scan3A_28 : i32 to index
        %get3A_200 = arith.constant 192 : index
        %get3A_201 = tpu.vector_load %arg9[%get3A_199, %get3A_200] {strides = array<i32>} : memref<32x768xf32, #tpu.memory_space<vmem>>, vector<1x16xf32>,
        %get3A_202 = vector.shape_cast %get3A_201 : vector<1x16xf32> to vector<16xf32>
        %add3A_203 = arith.addf %get3A_198, %get3A_202 : vector<16xf32>
        %swap3A_204 = arith.index_cast %scan3A_28 : i32 to index
        %swap3A_205 = arith.constant 192 : index
        %swap3A_206 = tpu.vector_load %arg8[%swap3A_204, %swap3A_205] {strides = array<i32>} : memref<32x768xf32, #tpu.memory_space<vmem>>, vector<1x16xf32>,
        %swap3A_207 = vector.shape_cast %swap3A_206 : vector<1x16xf32> to vector<16xf32>
        %swap3A_208 = vector.shape_cast %add3A_203 : vector<16xf32> to vector<1x16xf32>
        tpu.vector_store %arg8[%swap3A_204, %swap3A_205], %swap3A_208 {strides = array<i32>} : memref<32x768xf32, #tpu.memory_space<vmem>>, vector<1x16xf32>,
        %get3A_209 = arith.index_cast %scan3A_28 : i32 to index
        %get3A_210 = arith.constant 208 : index
        %get3A_211 = tpu.vector_load %arg8[%get3A_209, %get3A_210] {strides = array<i32>} : memref<32x768xf32, #tpu.memory_space<vmem>>, vector<1x16xf32>,
        %get3A_212 = vector.shape_cast %get3A_211 : vector<1x16xf32> to vector<16xf32>
        %get3A_213 = arith.index_cast %scan3A_28 : i32 to index
        %get3A_214 = arith.constant 208 : index
        %get3A_215 = tpu.vector_load %arg9[%get3A_213, %get3A_214] {strides = array<i32>} : memref<32x768xf32, #tpu.memory_space<vmem>>, vector<1x16xf32>,
        %get3A_216 = vector.shape_cast %get3A_215 : vector<1x16xf32> to vector<16xf32>
        %add3A_217 = arith.addf %get3A_212, %get3A_216 : vector<16xf32>
        %swap3A_218 = arith.index_cast %scan3A_28 : i32 to index
        %swap3A_219 = arith.constant 208 : index
        %swap3A_220 = tpu.vector_load %arg8[%swap3A_218, %swap3A_219] {strides = array<i32>} : memref<32x768xf32, #tpu.memory_space<vmem>>, vector<1x16xf32>,
        %swap3A_221 = vector.shape_cast %swap3A_220 : vector<1x16xf32> to vector<16xf32>
        %swap3A_222 = vector.shape_cast %add3A_217 : vector<16xf32> to vector<1x16xf32>
        tpu.vector_store %arg8[%swap3A_218, %swap3A_219], %swap3A_222 {strides = array<i32>} : memref<32x768xf32, #tpu.memory_space<vmem>>, vector<1x16xf32>,
        %get3A_223 = arith.index_cast %scan3A_28 : i32 to index
        %get3A_224 = arith.constant 224 : index
        %get3A_225 = tpu.vector_load %arg8[%get3A_223, %get3A_224] {strides = array<i32>} : memref<32x768xf32, #tpu.memory_space<vmem>>, vector<1x16xf32>,
        %get3A_226 = vector.shape_cast %get3A_225 : vector<1x16xf32> to vector<16xf32>
        %get3A_227 = arith.index_cast %scan3A_28 : i32 to index
        %get3A_228 = arith.constant 224 : index
        %get3A_229 = tpu.vector_load %arg9[%get3A_227, %get3A_228] {strides = array<i32>} : memref<32x768xf32, #tpu.memory_space<vmem>>, vector<1x16xf32>,
        %get3A_230 = vector.shape_cast %get3A_229 : vector<1x16xf32> to vector<16xf32>
        %add3A_231 = arith.addf %get3A_226, %get3A_230 : vector<16xf32>
        %swap3A_232 = arith.index_cast %scan3A_28 : i32 to index
        %swap3A_233 = arith.constant 224 : index
        %swap3A_234 = tpu.vector_load %arg8[%swap3A_232, %swap3A_233] {strides = array<i32>} : memref<32x768xf32, #tpu.memory_space<vmem>>, vector<1x16xf32>,
        %swap3A_235 = vector.shape_cast %swap3A_234 : vector<1x16xf32> to vector<16xf32>
        %swap3A_236 = vector.shape_cast %add3A_231 : vector<16xf32> to vector<1x16xf32>
        tpu.vector_store %arg8[%swap3A_232, %swap3A_233], %swap3A_236 {strides = array<i32>} : memref<32x768xf32, #tpu.memory_space<vmem>>, vector<1x16xf32>,
        %get3A_237 = arith.index_cast %scan3A_28 : i32 to index
        %get3A_238 = arith.constant 240 : index
        %get3A_239 = tpu.vector_load %arg8[%get3A_237, %get3A_238] {strides = array<i32>} : memref<32x768xf32, #tpu.memory_space<vmem>>, vector<1x16xf32>,
        %get3A_240 = vector.shape_cast %get3A_239 : vector<1x16xf32> to vector<16xf32>
        %get3A_241 = arith.index_cast %scan3A_28 : i32 to index
        %get3A_242 = arith.constant 240 : index
        %get3A_243 = tpu.vector_load %arg9[%get3A_241, %get3A_242] {strides = array<i32>} : memref<32x768xf32, #tpu.memory_space<vmem>>, vector<1x16xf32>,
        %get3A_244 = vector.shape_cast %get3A_243 : vector<1x16xf32> to vector<16xf32>
        %add3A_245 = arith.addf %get3A_240, %get3A_244 : vector<16xf32>
        %swap3A_246 = arith.index_cast %scan3A_28 : i32 to index
        %swap3A_247 = arith.constant 240 : index
        %swap3A_248 = tpu.vector_load %arg8[%swap3A_246, %swap3A_247] {strides = array<i32>} : memref<32x768xf32, #tpu.memory_space<vmem>>, vector<1x16xf32>,
        %swap3A_249 = vector.shape_cast %swap3A_248 : vector<1x16xf32> to vector<16xf32>
        %swap3A_250 = vector.shape_cast %add3A_245 : vector<16xf32> to vector<1x16xf32>
        tpu.vector_store %arg8[%swap3A_246, %swap3A_247], %swap3A_250 {strides = array<i32>} : memref<32x768xf32, #tpu.memory_space<vmem>>, vector<1x16xf32>,
        %get3A_251 = arith.index_cast %scan3A_28 : i32 to index
        %get3A_252 = arith.constant 256 : index
        %get3A_253 = tpu.vector_load %arg8[%get3A_251, %get3A_252] {strides = array<i32>} : memref<32x768xf32, #tpu.memory_space<vmem>>, vector<1x16xf32>,
        %get3A_254 = vector.shape_cast %get3A_253 : vector<1x16xf32> to vector<16xf32>
        %get3A_255 = arith.index_cast %scan3A_28 : i32 to index
        %get3A_256 = arith.constant 256 : index
        %get3A_257 = tpu.vector_load %arg9[%get3A_255, %get3A_256] {strides = array<i32>} : memref<32x768xf32, #tpu.memory_space<vmem>>, vector<1x16xf32>,
        %get3A_258 = vector.shape_cast %get3A_257 : vector<1x16xf32> to vector<16xf32>
        %add3A_259 = arith.addf %get3A_254, %get3A_258 : vector<16xf32>
        %swap3A_260 = arith.index_cast %scan3A_28 : i32 to index
        %swap3A_261 = arith.constant 256 : index
        %swap3A_262 = tpu.vector_load %arg8[%swap3A_260, %swap3A_261] {strides = array<i32>} : memref<32x768xf32, #tpu.memory_space<vmem>>, vector<1x16xf32>,
        %swap3A_263 = vector.shape_cast %swap3A_262 : vector<1x16xf32> to vector<16xf32>
        %swap3A_264 = vector.shape_cast %add3A_259 : vector<16xf32> to vector<1x16xf32>
        tpu.vector_store %arg8[%swap3A_260, %swap3A_261], %swap3A_264 {strides = array<i32>} : memref<32x768xf32, #tpu.memory_space<vmem>>, vector<1x16xf32>,
        %get3A_265 = arith.index_cast %scan3A_28 : i32 to index
        %get3A_266 = arith.constant 272 : index
        %get3A_267 = tpu.vector_load %arg8[%get3A_265, %get3A_266] {strides = array<i32>} : memref<32x768xf32, #tpu.memory_space<vmem>>, vector<1x16xf32>,
        %get3A_268 = vector.shape_cast %get3A_267 : vector<1x16xf32> to vector<16xf32>
        %get3A_269 = arith.index_cast %scan3A_28 : i32 to index
        %get3A_270 = arith.constant 272 : index
        %get3A_271 = tpu.vector_load %arg9[%get3A_269, %get3A_270] {strides = array<i32>} : memref<32x768xf32, #tpu.memory_space<vmem>>, vector<1x16xf32>,
        %get3A_272 = vector.shape_cast %get3A_271 : vector<1x16xf32> to vector<16xf32>
        %add3A_273 = arith.addf %get3A_268, %get3A_272 : vector<16xf32>
        %swap3A_274 = arith.index_cast %scan3A_28 : i32 to index
        %swap3A_275 = arith.constant 272 : index
        %swap3A_276 = tpu.vector_load %arg8[%swap3A_274, %swap3A_275] {strides = array<i32>} : memref<32x768xf32, #tpu.memory_space<vmem>>, vector<1x16xf32>,
        %swap3A_277 = vector.shape_cast %swap3A_276 : vector<1x16xf32> to vector<16xf32>
        %swap3A_278 = vector.shape_cast %add3A_273 : vector<16xf32> to vector<1x16xf32>
        tpu.vector_store %arg8[%swap3A_274, %swap3A_275], %swap3A_278 {strides = array<i32>} : memref<32x768xf32, #tpu.memory_space<vmem>>, vector<1x16xf32>,
        %get3A_279 = arith.index_cast %scan3A_28 : i32 to index
        %get3A_280 = arith.constant 288 : index
        %get3A_281 = tpu.vector_load %arg8[%get3A_279, %get3A_280] {strides = array<i32>} : memref<32x768xf32, #tpu.memory_space<vmem>>, vector<1x16xf32>,
        %get3A_282 = vector.shape_cast %get3A_281 : vector<1x16xf32> to vector<16xf32>
        %get3A_283 = arith.index_cast %scan3A_28 : i32 to index
        %get3A_284 = arith.constant 288 : index
        %get3A_285 = tpu.vector_load %arg9[%get3A_283, %get3A_284] {strides = array<i32>} : memref<32x768xf32, #tpu.memory_space<vmem>>, vector<1x16xf32>,
        %get3A_286 = vector.shape_cast %get3A_285 : vector<1x16xf32> to vector<16xf32>
        %add3A_287 = arith.addf %get3A_282, %get3A_286 : vector<16xf32>
        %swap3A_288 = arith.index_cast %scan3A_28 : i32 to index
        %swap3A_289 = arith.constant 288 : index
        %swap3A_290 = tpu.vector_load %arg8[%swap3A_288, %swap3A_289] {strides = array<i32>} : memref<32x768xf32, #tpu.memory_space<vmem>>, vector<1x16xf32>,
        %swap3A_291 = vector.shape_cast %swap3A_290 : vector<1x16xf32> to vector<16xf32>
        %swap3A_292 = vector.shape_cast %add3A_287 : vector<16xf32> to vector<1x16xf32>
        tpu.vector_store %arg8[%swap3A_288, %swap3A_289], %swap3A_292 {strides = array<i32>} : memref<32x768xf32, #tpu.memory_space<vmem>>, vector<1x16xf32>,
        %get3A_293 = arith.index_cast %scan3A_28 : i32 to index
        %get3A_294 = arith.constant 304 : index
        %get3A_295 = tpu.vector_load %arg8[%get3A_293, %get3A_294] {strides = array<i32>} : memref<32x768xf32, #tpu.memory_space<vmem>>, vector<1x16xf32>,
        %get3A_296 = vector.shape_cast %get3A_295 : vector<1x16xf32> to vector<16xf32>
        %get3A_297 = arith.index_cast %scan3A_28 : i32 to index
        %get3A_298 = arith.constant 304 : index
        %get3A_299 = tpu.vector_load %arg9[%get3A_297, %get3A_298] {strides = array<i32>} : memref<32x768xf32, #tpu.memory_space<vmem>>, vector<1x16xf32>,
        %get3A_300 = vector.shape_cast %get3A_299 : vector<1x16xf32> to vector<16xf32>
        %add3A_301 = arith.addf %get3A_296, %get3A_300 : vector<16xf32>
        %swap3A_302 = arith.index_cast %scan3A_28 : i32 to index
        %swap3A_303 = arith.constant 304 : index
        %swap3A_304 = tpu.vector_load %arg8[%swap3A_302, %swap3A_303] {strides = array<i32>} : memref<32x768xf32, #tpu.memory_space<vmem>>, vector<1x16xf32>,
        %swap3A_305 = vector.shape_cast %swap3A_304 : vector<1x16xf32> to vector<16xf32>
        %swap3A_306 = vector.shape_cast %add3A_301 : vector<16xf32> to vector<1x16xf32>
        tpu.vector_store %arg8[%swap3A_302, %swap3A_303], %swap3A_306 {strides = array<i32>} : memref<32x768xf32, #tpu.memory_space<vmem>>, vector<1x16xf32>,
        %get3A_307 = arith.index_cast %scan3A_28 : i32 to index
        %get3A_308 = arith.constant 320 : index
        %get3A_309 = tpu.vector_load %arg8[%get3A_307, %get3A_308] {strides = array<i32>} : memref<32x768xf32, #tpu.memory_space<vmem>>, vector<1x16xf32>,
        %get3A_310 = vector.shape_cast %get3A_309 : vector<1x16xf32> to vector<16xf32>
        %get3A_311 = arith.index_cast %scan3A_28 : i32 to index
        %get3A_312 = arith.constant 320 : index
        %get3A_313 = tpu.vector_load %arg9[%get3A_311, %get3A_312] {strides = array<i32>} : memref<32x768xf32, #tpu.memory_space<vmem>>, vector<1x16xf32>,
        %get3A_314 = vector.shape_cast %get3A_313 : vector<1x16xf32> to vector<16xf32>
        %add3A_315 = arith.addf %get3A_310, %get3A_314 : vector<16xf32>
        %swap3A_316 = arith.index_cast %scan3A_28 : i32 to index
        %swap3A_317 = arith.constant 320 : index
        %swap3A_318 = tpu.vector_load %arg8[%swap3A_316, %swap3A_317] {strides = array<i32>} : memref<32x768xf32, #tpu.memory_space<vmem>>, vector<1x16xf32>,
        %swap3A_319 = vector.shape_cast %swap3A_318 : vector<1x16xf32> to vector<16xf32>
        %swap3A_320 = vector.shape_cast %add3A_315 : vector<16xf32> to vector<1x16xf32>
        tpu.vector_store %arg8[%swap3A_316, %swap3A_317], %swap3A_320 {strides = array<i32>} : memref<32x768xf32, #tpu.memory_space<vmem>>, vector<1x16xf32>,
        %get3A_321 = arith.index_cast %scan3A_28 : i32 to index
        %get3A_322 = arith.constant 336 : index
        %get3A_323 = tpu.vector_load %arg8[%get3A_321, %get3A_322] {strides = array<i32>} : memref<32x768xf32, #tpu.memory_space<vmem>>, vector<1x16xf32>,
        %get3A_324 = vector.shape_cast %get3A_323 : vector<1x16xf32> to vector<16xf32>
        %get3A_325 = arith.index_cast %scan3A_28 : i32 to index
        %get3A_326 = arith.constant 336 : index
        %get3A_327 = tpu.vector_load %arg9[%get3A_325, %get3A_326] {strides = array<i32>} : memref<32x768xf32, #tpu.memory_space<vmem>>, vector<1x16xf32>,
        %get3A_328 = vector.shape_cast %get3A_327 : vector<1x16xf32> to vector<16xf32>
        %add3A_329 = arith.addf %get3A_324, %get3A_328 : vector<16xf32>
        %swap3A_330 = arith.index_cast %scan3A_28 : i32 to index
        %swap3A_331 = arith.constant 336 : index
        %swap3A_332 = tpu.vector_load %arg8[%swap3A_330, %swap3A_331] {strides = array<i32>} : memref<32x768xf32, #tpu.memory_space<vmem>>, vector<1x16xf32>,
        %swap3A_333 = vector.shape_cast %swap3A_332 : vector<1x16xf32> to vector<16xf32>
        %swap3A_334 = vector.shape_cast %add3A_329 : vector<16xf32> to vector<1x16xf32>
        tpu.vector_store %arg8[%swap3A_330, %swap3A_331], %swap3A_334 {strides = array<i32>} : memref<32x768xf32, #tpu.memory_space<vmem>>, vector<1x16xf32>,
        %get3A_335 = arith.index_cast %scan3A_28 : i32 to index
        %get3A_336 = arith.constant 352 : index
        %get3A_337 = tpu.vector_load %arg8[%get3A_335, %get3A_336] {strides = array<i32>} : memref<32x768xf32, #tpu.memory_space<vmem>>, vector<1x16xf32>,
        %get3A_338 = vector.shape_cast %get3A_337 : vector<1x16xf32> to vector<16xf32>
        %get3A_339 = arith.index_cast %scan3A_28 : i32 to index
        %get3A_340 = arith.constant 352 : index
        %get3A_341 = tpu.vector_load %arg9[%get3A_339, %get3A_340] {strides = array<i32>} : memref<32x768xf32, #tpu.memory_space<vmem>>, vector<1x16xf32>,
        %get3A_342 = vector.shape_cast %get3A_341 : vector<1x16xf32> to vector<16xf32>
        %add3A_343 = arith.addf %get3A_338, %get3A_342 : vector<16xf32>
        %swap3A_344 = arith.index_cast %scan3A_28 : i32 to index
        %swap3A_345 = arith.constant 352 : index
        %swap3A_346 = tpu.vector_load %arg8[%swap3A_344, %swap3A_345] {strides = array<i32>} : memref<32x768xf32, #tpu.memory_space<vmem>>, vector<1x16xf32>,
        %swap3A_347 = vector.shape_cast %swap3A_346 : vector<1x16xf32> to vector<16xf32>
        %swap3A_348 = vector.shape_cast %add3A_343 : vector<16xf32> to vector<1x16xf32>
        tpu.vector_store %arg8[%swap3A_344, %swap3A_345], %swap3A_348 {strides = array<i32>} : memref<32x768xf32, #tpu.memory_space<vmem>>, vector<1x16xf32>,
        %get3A_349 = arith.index_cast %scan3A_28 : i32 to index
        %get3A_350 = arith.constant 368 : index
        %get3A_351 = tpu.vector_load %arg8[%get3A_349, %get3A_350] {strides = array<i32>} : memref<32x768xf32, #tpu.memory_space<vmem>>, vector<1x16xf32>,
        %get3A_352 = vector.shape_cast %get3A_351 : vector<1x16xf32> to vector<16xf32>
        %get3A_353 = arith.index_cast %scan3A_28 : i32 to index
        %get3A_354 = arith.constant 368 : index
        %get3A_355 = tpu.vector_load %arg9[%get3A_353, %get3A_354] {strides = array<i32>} : memref<32x768xf32, #tpu.memory_space<vmem>>, vector<1x16xf32>,
        %get3A_356 = vector.shape_cast %get3A_355 : vector<1x16xf32> to vector<16xf32>
        %add3A_357 = arith.addf %get3A_352, %get3A_356 : vector<16xf32>
        %swap3A_358 = arith.index_cast %scan3A_28 : i32 to index
        %swap3A_359 = arith.constant 368 : index
        %swap3A_360 = tpu.vector_load %arg8[%swap3A_358, %swap3A_359] {strides = array<i32>} : memref<32x768xf32, #tpu.memory_space<vmem>>, vector<1x16xf32>,
        %swap3A_361 = vector.shape_cast %swap3A_360 : vector<1x16xf32> to vector<16xf32>
        %swap3A_362 = vector.shape_cast %add3A_357 : vector<16xf32> to vector<1x16xf32>
        tpu.vector_store %arg8[%swap3A_358, %swap3A_359], %swap3A_362 {strides = array<i32>} : memref<32x768xf32, #tpu.memory_space<vmem>>, vector<1x16xf32>,
        %get3A_363 = arith.index_cast %scan3A_28 : i32 to index
        %get3A_364 = arith.constant 384 : index
        %get3A_365 = tpu.vector_load %arg8[%get3A_363, %get3A_364] {strides = array<i32>} : memref<32x768xf32, #tpu.memory_space<vmem>>, vector<1x16xf32>,
        %get3A_366 = vector.shape_cast %get3A_365 : vector<1x16xf32> to vector<16xf32>
        %get3A_367 = arith.index_cast %scan3A_28 : i32 to index
        %get3A_368 = arith.constant 384 : index
        %get3A_369 = tpu.vector_load %arg9[%get3A_367, %get3A_368] {strides = array<i32>} : memref<32x768xf32, #tpu.memory_space<vmem>>, vector<1x16xf32>,
        %get3A_370 = vector.shape_cast %get3A_369 : vector<1x16xf32> to vector<16xf32>
        %add3A_371 = arith.addf %get3A_366, %get3A_370 : vector<16xf32>
        %swap3A_372 = arith.index_cast %scan3A_28 : i32 to index
        %swap3A_373 = arith.constant 384 : index
        %swap3A_374 = tpu.vector_load %arg8[%swap3A_372, %swap3A_373] {strides = array<i32>} : memref<32x768xf32, #tpu.memory_space<vmem>>, vector<1x16xf32>,
        %swap3A_375 = vector.shape_cast %swap3A_374 : vector<1x16xf32> to vector<16xf32>
        %swap3A_376 = vector.shape_cast %add3A_371 : vector<16xf32> to vector<1x16xf32>
        tpu.vector_store %arg8[%swap3A_372, %swap3A_373], %swap3A_376 {strides = array<i32>} : memref<32x768xf32, #tpu.memory_space<vmem>>, vector<1x16xf32>,
        %get3A_377 = arith.index_cast %scan3A_28 : i32 to index
        %get3A_378 = arith.constant 400 : index
        %get3A_379 = tpu.vector_load %arg8[%get3A_377, %get3A_378] {strides = array<i32>} : memref<32x768xf32, #tpu.memory_space<vmem>>, vector<1x16xf32>,
        %get3A_380 = vector.shape_cast %get3A_379 : vector<1x16xf32> to vector<16xf32>
        %get3A_381 = arith.index_cast %scan3A_28 : i32 to index
        %get3A_382 = arith.constant 400 : index
        %get3A_383 = tpu.vector_load %arg9[%get3A_381, %get3A_382] {strides = array<i32>} : memref<32x768xf32, #tpu.memory_space<vmem>>, vector<1x16xf32>,
        %get3A_384 = vector.shape_cast %get3A_383 : vector<1x16xf32> to vector<16xf32>
        %add3A_385 = arith.addf %get3A_380, %get3A_384 : vector<16xf32>
        %swap3A_386 = arith.index_cast %scan3A_28 : i32 to index
        %swap3A_387 = arith.constant 400 : index
        %swap3A_388 = tpu.vector_load %arg8[%swap3A_386, %swap3A_387] {strides = array<i32>} : memref<32x768xf32, #tpu.memory_space<vmem>>, vector<1x16xf32>,
        %swap3A_389 = vector.shape_cast %swap3A_388 : vector<1x16xf32> to vector<16xf32>
        %swap3A_390 = vector.shape_cast %add3A_385 : vector<16xf32> to vector<1x16xf32>
        tpu.vector_store %arg8[%swap3A_386, %swap3A_387], %swap3A_390 {strides = array<i32>} : memref<32x768xf32, #tpu.memory_space<vmem>>, vector<1x16xf32>,
        %get3A_391 = arith.index_cast %scan3A_28 : i32 to index
        %get3A_392 = arith.constant 416 : index
        %get3A_393 = tpu.vector_load %arg8[%get3A_391, %get3A_392] {strides = array<i32>} : memref<32x768xf32, #tpu.memory_space<vmem>>, vector<1x16xf32>,
        %get3A_394 = vector.shape_cast %get3A_393 : vector<1x16xf32> to vector<16xf32>
        %get3A_395 = arith.index_cast %scan3A_28 : i32 to index
        %get3A_396 = arith.constant 416 : index
        %get3A_397 = tpu.vector_load %arg9[%get3A_395, %get3A_396] {strides = array<i32>} : memref<32x768xf32, #tpu.memory_space<vmem>>, vector<1x16xf32>,
        %get3A_398 = vector.shape_cast %get3A_397 : vector<1x16xf32> to vector<16xf32>
        %add3A_399 = arith.addf %get3A_394, %get3A_398 : vector<16xf32>
        %swap3A_400 = arith.index_cast %scan3A_28 : i32 to index
        %swap3A_401 = arith.constant 416 : index
        %swap3A_402 = tpu.vector_load %arg8[%swap3A_400, %swap3A_401] {strides = array<i32>} : memref<32x768xf32, #tpu.memory_space<vmem>>, vector<1x16xf32>,
        %swap3A_403 = vector.shape_cast %swap3A_402 : vector<1x16xf32> to vector<16xf32>
        %swap3A_404 = vector.shape_cast %add3A_399 : vector<16xf32> to vector<1x16xf32>
        tpu.vector_store %arg8[%swap3A_400, %swap3A_401], %swap3A_404 {strides = array<i32>} : memref<32x768xf32, #tpu.memory_space<vmem>>, vector<1x16xf32>,
        %get3A_405 = arith.index_cast %scan3A_28 : i32 to index
        %get3A_406 = arith.constant 432 : index
        %get3A_407 = tpu.vector_load %arg8[%get3A_405, %get3A_406] {strides = array<i32>} : memref<32x768xf32, #tpu.memory_space<vmem>>, vector<1x16xf32>,
        %get3A_408 = vector.shape_cast %get3A_407 : vector<1x16xf32> to vector<16xf32>
        %get3A_409 = arith.index_cast %scan3A_28 : i32 to index
        %get3A_410 = arith.constant 432 : index
        %get3A_411 = tpu.vector_load %arg9[%get3A_409, %get3A_410] {strides = array<i32>} : memref<32x768xf32, #tpu.memory_space<vmem>>, vector<1x16xf32>,
        %get3A_412 = vector.shape_cast %get3A_411 : vector<1x16xf32> to vector<16xf32>
        %add3A_413 = arith.addf %get3A_408, %get3A_412 : vector<16xf32>
        %swap3A_414 = arith.index_cast %scan3A_28 : i32 to index
        %swap3A_415 = arith.constant 432 : index
        %swap3A_416 = tpu.vector_load %arg8[%swap3A_414, %swap3A_415] {strides = array<i32>} : memref<32x768xf32, #tpu.memory_space<vmem>>, vector<1x16xf32>,
        %swap3A_417 = vector.shape_cast %swap3A_416 : vector<1x16xf32> to vector<16xf32>
        %swap3A_418 = vector.shape_cast %add3A_413 : vector<16xf32> to vector<1x16xf32>
        tpu.vector_store %arg8[%swap3A_414, %swap3A_415], %swap3A_418 {strides = array<i32>} : memref<32x768xf32, #tpu.memory_space<vmem>>, vector<1x16xf32>,
        %get3A_419 = arith.index_cast %scan3A_28 : i32 to index
        %get3A_420 = arith.constant 448 : index
        %get3A_421 = tpu.vector_load %arg8[%get3A_419, %get3A_420] {strides = array<i32>} : memref<32x768xf32, #tpu.memory_space<vmem>>, vector<1x16xf32>,
        %get3A_422 = vector.shape_cast %get3A_421 : vector<1x16xf32> to vector<16xf32>
        %get3A_423 = arith.index_cast %scan3A_28 : i32 to index
        %get3A_424 = arith.constant 448 : index
        %get3A_425 = tpu.vector_load %arg9[%get3A_423, %get3A_424] {strides = array<i32>} : memref<32x768xf32, #tpu.memory_space<vmem>>, vector<1x16xf32>,
        %get3A_426 = vector.shape_cast %get3A_425 : vector<1x16xf32> to vector<16xf32>
        %add3A_427 = arith.addf %get3A_422, %get3A_426 : vector<16xf32>
        %swap3A_428 = arith.index_cast %scan3A_28 : i32 to index
        %swap3A_429 = arith.constant 448 : index
        %swap3A_430 = tpu.vector_load %arg8[%swap3A_428, %swap3A_429] {strides = array<i32>} : memref<32x768xf32, #tpu.memory_space<vmem>>, vector<1x16xf32>,
        %swap3A_431 = vector.shape_cast %swap3A_430 : vector<1x16xf32> to vector<16xf32>
        %swap3A_432 = vector.shape_cast %add3A_427 : vector<16xf32> to vector<1x16xf32>
        tpu.vector_store %arg8[%swap3A_428, %swap3A_429], %swap3A_432 {strides = array<i32>} : memref<32x768xf32, #tpu.memory_space<vmem>>, vector<1x16xf32>,
        %get3A_433 = arith.index_cast %scan3A_28 : i32 to index
        %get3A_434 = arith.constant 464 : index
        %get3A_435 = tpu.vector_load %arg8[%get3A_433, %get3A_434] {strides = array<i32>} : memref<32x768xf32, #tpu.memory_space<vmem>>, vector<1x16xf32>,
        %get3A_436 = vector.shape_cast %get3A_435 : vector<1x16xf32> to vector<16xf32>
        %get3A_437 = arith.index_cast %scan3A_28 : i32 to index
        %get3A_438 = arith.constant 464 : index
        %get3A_439 = tpu.vector_load %arg9[%get3A_437, %get3A_438] {strides = array<i32>} : memref<32x768xf32, #tpu.memory_space<vmem>>, vector<1x16xf32>,
        %get3A_440 = vector.shape_cast %get3A_439 : vector<1x16xf32> to vector<16xf32>
        %add3A_441 = arith.addf %get3A_436, %get3A_440 : vector<16xf32>
        %swap3A_442 = arith.index_cast %scan3A_28 : i32 to index
        %swap3A_443 = arith.constant 464 : index
        %swap3A_444 = tpu.vector_load %arg8[%swap3A_442, %swap3A_443] {strides = array<i32>} : memref<32x768xf32, #tpu.memory_space<vmem>>, vector<1x16xf32>,
        %swap3A_445 = vector.shape_cast %swap3A_444 : vector<1x16xf32> to vector<16xf32>
        %swap3A_446 = vector.shape_cast %add3A_441 : vector<16xf32> to vector<1x16xf32>
        tpu.vector_store %arg8[%swap3A_442, %swap3A_443], %swap3A_446 {strides = array<i32>} : memref<32x768xf32, #tpu.memory_space<vmem>>, vector<1x16xf32>,
        %get3A_447 = arith.index_cast %scan3A_28 : i32 to index
        %get3A_448 = arith.constant 480 : index
        %get3A_449 = tpu.vector_load %arg8[%get3A_447, %get3A_448] {strides = array<i32>} : memref<32x768xf32, #tpu.memory_space<vmem>>, vector<1x16xf32>,
        %get3A_450 = vector.shape_cast %get3A_449 : vector<1x16xf32> to vector<16xf32>
        %get3A_451 = arith.index_cast %scan3A_28 : i32 to index
        %get3A_452 = arith.constant 480 : index
        %get3A_453 = tpu.vector_load %arg9[%get3A_451, %get3A_452] {strides = array<i32>} : memref<32x768xf32, #tpu.memory_space<vmem>>, vector<1x16xf32>,
        %get3A_454 = vector.shape_cast %get3A_453 : vector<1x16xf32> to vector<16xf32>
        %add3A_455 = arith.addf %get3A_450, %get3A_454 : vector<16xf32>
        %swap3A_456 = arith.index_cast %scan3A_28 : i32 to index
        %swap3A_457 = arith.constant 480 : index
        %swap3A_458 = tpu.vector_load %arg8[%swap3A_456, %swap3A_457] {strides = array<i32>} : memref<32x768xf32, #tpu.memory_space<vmem>>, vector<1x16xf32>,
        %swap3A_459 = vector.shape_cast %swap3A_458 : vector<1x16xf32> to vector<16xf32>
        %swap3A_460 = vector.shape_cast %add3A_455 : vector<16xf32> to vector<1x16xf32>
        tpu.vector_store %arg8[%swap3A_456, %swap3A_457], %swap3A_460 {strides = array<i32>} : memref<32x768xf32, #tpu.memory_space<vmem>>, vector<1x16xf32>,
        %get3A_461 = arith.index_cast %scan3A_28 : i32 to index
        %get3A_462 = arith.constant 496 : index
        %get3A_463 = tpu.vector_load %arg8[%get3A_461, %get3A_462] {strides = array<i32>} : memref<32x768xf32, #tpu.memory_space<vmem>>, vector<1x16xf32>,
        %get3A_464 = vector.shape_cast %get3A_463 : vector<1x16xf32> to vector<16xf32>
        %get3A_465 = arith.index_cast %scan3A_28 : i32 to index
        %get3A_466 = arith.constant 496 : index
        %get3A_467 = tpu.vector_load %arg9[%get3A_465, %get3A_466] {strides = array<i32>} : memref<32x768xf32, #tpu.memory_space<vmem>>, vector<1x16xf32>,
        %get3A_468 = vector.shape_cast %get3A_467 : vector<1x16xf32> to vector<16xf32>
        %add3A_469 = arith.addf %get3A_464, %get3A_468 : vector<16xf32>
        %swap3A_470 = arith.index_cast %scan3A_28 : i32 to index
        %swap3A_471 = arith.constant 496 : index
        %swap3A_472 = tpu.vector_load %arg8[%swap3A_470, %swap3A_471] {strides = array<i32>} : memref<32x768xf32, #tpu.memory_space<vmem>>, vector<1x16xf32>,
        %swap3A_473 = vector.shape_cast %swap3A_472 : vector<1x16xf32> to vector<16xf32>
        %swap3A_474 = vector.shape_cast %add3A_469 : vector<16xf32> to vector<1x16xf32>
        tpu.vector_store %arg8[%swap3A_470, %swap3A_471], %swap3A_474 {strides = array<i32>} : memref<32x768xf32, #tpu.memory_space<vmem>>, vector<1x16xf32>,
        %get3A_475 = arith.index_cast %scan3A_28 : i32 to index
        %get3A_476 = arith.constant 512 : index
        %get3A_477 = tpu.vector_load %arg8[%get3A_475, %get3A_476] {strides = array<i32>} : memref<32x768xf32, #tpu.memory_space<vmem>>, vector<1x16xf32>,
        %get3A_478 = vector.shape_cast %get3A_477 : vector<1x16xf32> to vector<16xf32>
        %get3A_479 = arith.index_cast %scan3A_28 : i32 to index
        %get3A_480 = arith.constant 512 : index
        %get3A_481 = tpu.vector_load %arg9[%get3A_479, %get3A_480] {strides = array<i32>} : memref<32x768xf32, #tpu.memory_space<vmem>>, vector<1x16xf32>,
        %get3A_482 = vector.shape_cast %get3A_481 : vector<1x16xf32> to vector<16xf32>
        %add3A_483 = arith.addf %get3A_478, %get3A_482 : vector<16xf32>
        %swap3A_484 = arith.index_cast %scan3A_28 : i32 to index
        %swap3A_485 = arith.constant 512 : index
        %swap3A_486 = tpu.vector_load %arg8[%swap3A_484, %swap3A_485] {strides = array<i32>} : memref<32x768xf32, #tpu.memory_space<vmem>>, vector<1x16xf32>,
        %swap3A_487 = vector.shape_cast %swap3A_486 : vector<1x16xf32> to vector<16xf32>
        %swap3A_488 = vector.shape_cast %add3A_483 : vector<16xf32> to vector<1x16xf32>
        tpu.vector_store %arg8[%swap3A_484, %swap3A_485], %swap3A_488 {strides = array<i32>} : memref<32x768xf32, #tpu.memory_space<vmem>>, vector<1x16xf32>,
        %get3A_489 = arith.index_cast %scan3A_28 : i32 to index
        %get3A_490 = arith.constant 528 : index
        %get3A_491 = tpu.vector_load %arg8[%get3A_489, %get3A_490] {strides = array<i32>} : memref<32x768xf32, #tpu.memory_space<vmem>>, vector<1x16xf32>,
        %get3A_492 = vector.shape_cast %get3A_491 : vector<1x16xf32> to vector<16xf32>
        %get3A_493 = arith.index_cast %scan3A_28 : i32 to index
        %get3A_494 = arith.constant 528 : index
        %get3A_495 = tpu.vector_load %arg9[%get3A_493, %get3A_494] {strides = array<i32>} : memref<32x768xf32, #tpu.memory_space<vmem>>, vector<1x16xf32>,
        %get3A_496 = vector.shape_cast %get3A_495 : vector<1x16xf32> to vector<16xf32>
        %add3A_497 = arith.addf %get3A_492, %get3A_496 : vector<16xf32>
        %swap3A_498 = arith.index_cast %scan3A_28 : i32 to index
        %swap3A_499 = arith.constant 528 : index
        %swap3A_500 = tpu.vector_load %arg8[%swap3A_498, %swap3A_499] {strides = array<i32>} : memref<32x768xf32, #tpu.memory_space<vmem>>, vector<1x16xf32>,
        %swap3A_501 = vector.shape_cast %swap3A_500 : vector<1x16xf32> to vector<16xf32>
        %swap3A_502 = vector.shape_cast %add3A_497 : vector<16xf32> to vector<1x16xf32>
        tpu.vector_store %arg8[%swap3A_498, %swap3A_499], %swap3A_502 {strides = array<i32>} : memref<32x768xf32, #tpu.memory_space<vmem>>, vector<1x16xf32>,
        %get3A_503 = arith.index_cast %scan3A_28 : i32 to index
        %get3A_504 = arith.constant 544 : index
        %get3A_505 = tpu.vector_load %arg8[%get3A_503, %get3A_504] {strides = array<i32>} : memref<32x768xf32, #tpu.memory_space<vmem>>, vector<1x16xf32>,
        %get3A_506 = vector.shape_cast %get3A_505 : vector<1x16xf32> to vector<16xf32>
        %get3A_507 = arith.index_cast %scan3A_28 : i32 to index
        %get3A_508 = arith.constant 544 : index
        %get3A_509 = tpu.vector_load %arg9[%get3A_507, %get3A_508] {strides = array<i32>} : memref<32x768xf32, #tpu.memory_space<vmem>>, vector<1x16xf32>,
        %get3A_510 = vector.shape_cast %get3A_509 : vector<1x16xf32> to vector<16xf32>
        %add3A_511 = arith.addf %get3A_506, %get3A_510 : vector<16xf32>
        %swap3A_512 = arith.index_cast %scan3A_28 : i32 to index
        %swap3A_513 = arith.constant 544 : index
        %swap3A_514 = tpu.vector_load %arg8[%swap3A_512, %swap3A_513] {strides = array<i32>} : memref<32x768xf32, #tpu.memory_space<vmem>>, vector<1x16xf32>,
        %swap3A_515 = vector.shape_cast %swap3A_514 : vector<1x16xf32> to vector<16xf32>
        %swap3A_516 = vector.shape_cast %add3A_511 : vector<16xf32> to vector<1x16xf32>
        tpu.vector_store %arg8[%swap3A_512, %swap3A_513], %swap3A_516 {strides = array<i32>} : memref<32x768xf32, #tpu.memory_space<vmem>>, vector<1x16xf32>,
        %get3A_517 = arith.index_cast %scan3A_28 : i32 to index
        %get3A_518 = arith.constant 560 : index
        %get3A_519 = tpu.vector_load %arg8[%get3A_517, %get3A_518] {strides = array<i32>} : memref<32x768xf32, #tpu.memory_space<vmem>>, vector<1x16xf32>,
        %get3A_520 = vector.shape_cast %get3A_519 : vector<1x16xf32> to vector<16xf32>
        %get3A_521 = arith.index_cast %scan3A_28 : i32 to index
        %get3A_522 = arith.constant 560 : index
        %get3A_523 = tpu.vector_load %arg9[%get3A_521, %get3A_522] {strides = array<i32>} : memref<32x768xf32, #tpu.memory_space<vmem>>, vector<1x16xf32>,
        %get3A_524 = vector.shape_cast %get3A_523 : vector<1x16xf32> to vector<16xf32>
        %add3A_525 = arith.addf %get3A_520, %get3A_524 : vector<16xf32>
        %swap3A_526 = arith.index_cast %scan3A_28 : i32 to index
        %swap3A_527 = arith.constant 560 : index
        %swap3A_528 = tpu.vector_load %arg8[%swap3A_526, %swap3A_527] {strides = array<i32>} : memref<32x768xf32, #tpu.memory_space<vmem>>, vector<1x16xf32>,
        %swap3A_529 = vector.shape_cast %swap3A_528 : vector<1x16xf32> to vector<16xf32>
        %swap3A_530 = vector.shape_cast %add3A_525 : vector<16xf32> to vector<1x16xf32>
        tpu.vector_store %arg8[%swap3A_526, %swap3A_527], %swap3A_530 {strides = array<i32>} : memref<32x768xf32, #tpu.memory_space<vmem>>, vector<1x16xf32>,
        %get3A_531 = arith.index_cast %scan3A_28 : i32 to index
        %get3A_532 = arith.constant 576 : index
        %get3A_533 = tpu.vector_load %arg8[%get3A_531, %get3A_532] {strides = array<i32>} : memref<32x768xf32, #tpu.memory_space<vmem>>, vector<1x16xf32>,
        %get3A_534 = vector.shape_cast %get3A_533 : vector<1x16xf32> to vector<16xf32>
        %get3A_535 = arith.index_cast %scan3A_28 : i32 to index
        %get3A_536 = arith.constant 576 : index
        %get3A_537 = tpu.vector_load %arg9[%get3A_535, %get3A_536] {strides = array<i32>} : memref<32x768xf32, #tpu.memory_space<vmem>>, vector<1x16xf32>,
        %get3A_538 = vector.shape_cast %get3A_537 : vector<1x16xf32> to vector<16xf32>
        %add3A_539 = arith.addf %get3A_534, %get3A_538 : vector<16xf32>
        %swap3A_540 = arith.index_cast %scan3A_28 : i32 to index
        %swap3A_541 = arith.constant 576 : index
        %swap3A_542 = tpu.vector_load %arg8[%swap3A_540, %swap3A_541] {strides = array<i32>} : memref<32x768xf32, #tpu.memory_space<vmem>>, vector<1x16xf32>,
        %swap3A_543 = vector.shape_cast %swap3A_542 : vector<1x16xf32> to vector<16xf32>
        %swap3A_544 = vector.shape_cast %add3A_539 : vector<16xf32> to vector<1x16xf32>
        tpu.vector_store %arg8[%swap3A_540, %swap3A_541], %swap3A_544 {strides = array<i32>} : memref<32x768xf32, #tpu.memory_space<vmem>>, vector<1x16xf32>,
        %get3A_545 = arith.index_cast %scan3A_28 : i32 to index
        %get3A_546 = arith.constant 592 : index
        %get3A_547 = tpu.vector_load %arg8[%get3A_545, %get3A_546] {strides = array<i32>} : memref<32x768xf32, #tpu.memory_space<vmem>>, vector<1x16xf32>,
        %get3A_548 = vector.shape_cast %get3A_547 : vector<1x16xf32> to vector<16xf32>
        %get3A_549 = arith.index_cast %scan3A_28 : i32 to index
        %get3A_550 = arith.constant 592 : index
        %get3A_551 = tpu.vector_load %arg9[%get3A_549, %get3A_550] {strides = array<i32>} : memref<32x768xf32, #tpu.memory_space<vmem>>, vector<1x16xf32>,
        %get3A_552 = vector.shape_cast %get3A_551 : vector<1x16xf32> to vector<16xf32>
        %add3A_553 = arith.addf %get3A_548, %get3A_552 : vector<16xf32>
        %swap3A_554 = arith.index_cast %scan3A_28 : i32 to index
        %swap3A_555 = arith.constant 592 : index
        %swap3A_556 = tpu.vector_load %arg8[%swap3A_554, %swap3A_555] {strides = array<i32>} : memref<32x768xf32, #tpu.memory_space<vmem>>, vector<1x16xf32>,
        %swap3A_557 = vector.shape_cast %swap3A_556 : vector<1x16xf32> to vector<16xf32>
        %swap3A_558 = vector.shape_cast %add3A_553 : vector<16xf32> to vector<1x16xf32>
        tpu.vector_store %arg8[%swap3A_554, %swap3A_555], %swap3A_558 {strides = array<i32>} : memref<32x768xf32, #tpu.memory_space<vmem>>, vector<1x16xf32>,
        %get3A_559 = arith.index_cast %scan3A_28 : i32 to index
        %get3A_560 = arith.constant 608 : index
        %get3A_561 = tpu.vector_load %arg8[%get3A_559, %get3A_560] {strides = array<i32>} : memref<32x768xf32, #tpu.memory_space<vmem>>, vector<1x16xf32>,
        %get3A_562 = vector.shape_cast %get3A_561 : vector<1x16xf32> to vector<16xf32>
        %get3A_563 = arith.index_cast %scan3A_28 : i32 to index
        %get3A_564 = arith.constant 608 : index
        %get3A_565 = tpu.vector_load %arg9[%get3A_563, %get3A_564] {strides = array<i32>} : memref<32x768xf32, #tpu.memory_space<vmem>>, vector<1x16xf32>,
        %get3A_566 = vector.shape_cast %get3A_565 : vector<1x16xf32> to vector<16xf32>
        %add3A_567 = arith.addf %get3A_562, %get3A_566 : vector<16xf32>
        %swap3A_568 = arith.index_cast %scan3A_28 : i32 to index
        %swap3A_569 = arith.constant 608 : index
        %swap3A_570 = tpu.vector_load %arg8[%swap3A_568, %swap3A_569] {strides = array<i32>} : memref<32x768xf32, #tpu.memory_space<vmem>>, vector<1x16xf32>,
        %swap3A_571 = vector.shape_cast %swap3A_570 : vector<1x16xf32> to vector<16xf32>
        %swap3A_572 = vector.shape_cast %add3A_567 : vector<16xf32> to vector<1x16xf32>
        tpu.vector_store %arg8[%swap3A_568, %swap3A_569], %swap3A_572 {strides = array<i32>} : memref<32x768xf32, #tpu.memory_space<vmem>>, vector<1x16xf32>,
        %get3A_573 = arith.index_cast %scan3A_28 : i32 to index
        %get3A_574 = arith.constant 624 : index
        %get3A_575 = tpu.vector_load %arg8[%get3A_573, %get3A_574] {strides = array<i32>} : memref<32x768xf32, #tpu.memory_space<vmem>>, vector<1x16xf32>,
        %get3A_576 = vector.shape_cast %get3A_575 : vector<1x16xf32> to vector<16xf32>
        %get3A_577 = arith.index_cast %scan3A_28 : i32 to index
        %get3A_578 = arith.constant 624 : index
        %get3A_579 = tpu.vector_load %arg9[%get3A_577, %get3A_578] {strides = array<i32>} : memref<32x768xf32, #tpu.memory_space<vmem>>, vector<1x16xf32>,
        %get3A_580 = vector.shape_cast %get3A_579 : vector<1x16xf32> to vector<16xf32>
        %add3A_581 = arith.addf %get3A_576, %get3A_580 : vector<16xf32>
        %swap3A_582 = arith.index_cast %scan3A_28 : i32 to index
        %swap3A_583 = arith.constant 624 : index
        %swap3A_584 = tpu.vector_load %arg8[%swap3A_582, %swap3A_583] {strides = array<i32>} : memref<32x768xf32, #tpu.memory_space<vmem>>, vector<1x16xf32>,
        %swap3A_585 = vector.shape_cast %swap3A_584 : vector<1x16xf32> to vector<16xf32>
        %swap3A_586 = vector.shape_cast %add3A_581 : vector<16xf32> to vector<1x16xf32>
        tpu.vector_store %arg8[%swap3A_582, %swap3A_583], %swap3A_586 {strides = array<i32>} : memref<32x768xf32, #tpu.memory_space<vmem>>, vector<1x16xf32>,
        %get3A_587 = arith.index_cast %scan3A_28 : i32 to index
        %get3A_588 = arith.constant 640 : index
        %get3A_589 = tpu.vector_load %arg8[%get3A_587, %get3A_588] {strides = array<i32>} : memref<32x768xf32, #tpu.memory_space<vmem>>, vector<1x16xf32>,
        %get3A_590 = vector.shape_cast %get3A_589 : vector<1x16xf32> to vector<16xf32>
        %get3A_591 = arith.index_cast %scan3A_28 : i32 to index
        %get3A_592 = arith.constant 640 : index
        %get3A_593 = tpu.vector_load %arg9[%get3A_591, %get3A_592] {strides = array<i32>} : memref<32x768xf32, #tpu.memory_space<vmem>>, vector<1x16xf32>,
        %get3A_594 = vector.shape_cast %get3A_593 : vector<1x16xf32> to vector<16xf32>
        %add3A_595 = arith.addf %get3A_590, %get3A_594 : vector<16xf32>
        %swap3A_596 = arith.index_cast %scan3A_28 : i32 to index
        %swap3A_597 = arith.constant 640 : index
        %swap3A_598 = tpu.vector_load %arg8[%swap3A_596, %swap3A_597] {strides = array<i32>} : memref<32x768xf32, #tpu.memory_space<vmem>>, vector<1x16xf32>,
        %swap3A_599 = vector.shape_cast %swap3A_598 : vector<1x16xf32> to vector<16xf32>
        %swap3A_600 = vector.shape_cast %add3A_595 : vector<16xf32> to vector<1x16xf32>
        tpu.vector_store %arg8[%swap3A_596, %swap3A_597], %swap3A_600 {strides = array<i32>} : memref<32x768xf32, #tpu.memory_space<vmem>>, vector<1x16xf32>,
        %get3A_601 = arith.index_cast %scan3A_28 : i32 to index
        %get3A_602 = arith.constant 656 : index
        %get3A_603 = tpu.vector_load %arg8[%get3A_601, %get3A_602] {strides = array<i32>} : memref<32x768xf32, #tpu.memory_space<vmem>>, vector<1x16xf32>,
        %get3A_604 = vector.shape_cast %get3A_603 : vector<1x16xf32> to vector<16xf32>
        %get3A_605 = arith.index_cast %scan3A_28 : i32 to index
        %get3A_606 = arith.constant 656 : index
        %get3A_607 = tpu.vector_load %arg9[%get3A_605, %get3A_606] {strides = array<i32>} : memref<32x768xf32, #tpu.memory_space<vmem>>, vector<1x16xf32>,
        %get3A_608 = vector.shape_cast %get3A_607 : vector<1x16xf32> to vector<16xf32>
        %add3A_609 = arith.addf %get3A_604, %get3A_608 : vector<16xf32>
        %swap3A_610 = arith.index_cast %scan3A_28 : i32 to index
        %swap3A_611 = arith.constant 656 : index
        %swap3A_612 = tpu.vector_load %arg8[%swap3A_610, %swap3A_611] {strides = array<i32>} : memref<32x768xf32, #tpu.memory_space<vmem>>, vector<1x16xf32>,
        %swap3A_613 = vector.shape_cast %swap3A_612 : vector<1x16xf32> to vector<16xf32>
        %swap3A_614 = vector.shape_cast %add3A_609 : vector<16xf32> to vector<1x16xf32>
        tpu.vector_store %arg8[%swap3A_610, %swap3A_611], %swap3A_614 {strides = array<i32>} : memref<32x768xf32, #tpu.memory_space<vmem>>, vector<1x16xf32>,
        %get3A_615 = arith.index_cast %scan3A_28 : i32 to index
        %get3A_616 = arith.constant 672 : index
        %get3A_617 = tpu.vector_load %arg8[%get3A_615, %get3A_616] {strides = array<i32>} : memref<32x768xf32, #tpu.memory_space<vmem>>, vector<1x16xf32>,
        %get3A_618 = vector.shape_cast %get3A_617 : vector<1x16xf32> to vector<16xf32>
        %get3A_619 = arith.index_cast %scan3A_28 : i32 to index
        %get3A_620 = arith.constant 672 : index
        %get3A_621 = tpu.vector_load %arg9[%get3A_619, %get3A_620] {strides = array<i32>} : memref<32x768xf32, #tpu.memory_space<vmem>>, vector<1x16xf32>,
        %get3A_622 = vector.shape_cast %get3A_621 : vector<1x16xf32> to vector<16xf32>
        %add3A_623 = arith.addf %get3A_618, %get3A_622 : vector<16xf32>
        %swap3A_624 = arith.index_cast %scan3A_28 : i32 to index
        %swap3A_625 = arith.constant 672 : index
        %swap3A_626 = tpu.vector_load %arg8[%swap3A_624, %swap3A_625] {strides = array<i32>} : memref<32x768xf32, #tpu.memory_space<vmem>>, vector<1x16xf32>,
        %swap3A_627 = vector.shape_cast %swap3A_626 : vector<1x16xf32> to vector<16xf32>
        %swap3A_628 = vector.shape_cast %add3A_623 : vector<16xf32> to vector<1x16xf32>
        tpu.vector_store %arg8[%swap3A_624, %swap3A_625], %swap3A_628 {strides = array<i32>} : memref<32x768xf32, #tpu.memory_space<vmem>>, vector<1x16xf32>,
        %get3A_629 = arith.index_cast %scan3A_28 : i32 to index
        %get3A_630 = arith.constant 688 : index
        %get3A_631 = tpu.vector_load %arg8[%get3A_629, %get3A_630] {strides = array<i32>} : memref<32x768xf32, #tpu.memory_space<vmem>>, vector<1x16xf32>,
        %get3A_632 = vector.shape_cast %get3A_631 : vector<1x16xf32> to vector<16xf32>
        %get3A_633 = arith.index_cast %scan3A_28 : i32 to index
        %get3A_634 = arith.constant 688 : index
        %get3A_635 = tpu.vector_load %arg9[%get3A_633, %get3A_634] {strides = array<i32>} : memref<32x768xf32, #tpu.memory_space<vmem>>, vector<1x16xf32>,
        %get3A_636 = vector.shape_cast %get3A_635 : vector<1x16xf32> to vector<16xf32>
        %add3A_637 = arith.addf %get3A_632, %get3A_636 : vector<16xf32>
        %swap3A_638 = arith.index_cast %scan3A_28 : i32 to index
        %swap3A_639 = arith.constant 688 : index
        %swap3A_640 = tpu.vector_load %arg8[%swap3A_638, %swap3A_639] {strides = array<i32>} : memref<32x768xf32, #tpu.memory_space<vmem>>, vector<1x16xf32>,
        %swap3A_641 = vector.shape_cast %swap3A_640 : vector<1x16xf32> to vector<16xf32>
        %swap3A_642 = vector.shape_cast %add3A_637 : vector<16xf32> to vector<1x16xf32>
        tpu.vector_store %arg8[%swap3A_638, %swap3A_639], %swap3A_642 {strides = array<i32>} : memref<32x768xf32, #tpu.memory_space<vmem>>, vector<1x16xf32>,
        %get3A_643 = arith.index_cast %scan3A_28 : i32 to index
        %get3A_644 = arith.constant 704 : index
        %get3A_645 = tpu.vector_load %arg8[%get3A_643, %get3A_644] {strides = array<i32>} : memref<32x768xf32, #tpu.memory_space<vmem>>, vector<1x16xf32>,
        %get3A_646 = vector.shape_cast %get3A_645 : vector<1x16xf32> to vector<16xf32>
        %get3A_647 = arith.index_cast %scan3A_28 : i32 to index
        %get3A_648 = arith.constant 704 : index
        %get3A_649 = tpu.vector_load %arg9[%get3A_647, %get3A_648] {strides = array<i32>} : memref<32x768xf32, #tpu.memory_space<vmem>>, vector<1x16xf32>,
        %get3A_650 = vector.shape_cast %get3A_649 : vector<1x16xf32> to vector<16xf32>
        %add3A_651 = arith.addf %get3A_646, %get3A_650 : vector<16xf32>
        %swap3A_652 = arith.index_cast %scan3A_28 : i32 to index
        %swap3A_653 = arith.constant 704 : index
        %swap3A_654 = tpu.vector_load %arg8[%swap3A_652, %swap3A_653] {strides = array<i32>} : memref<32x768xf32, #tpu.memory_space<vmem>>, vector<1x16xf32>,
        %swap3A_655 = vector.shape_cast %swap3A_654 : vector<1x16xf32> to vector<16xf32>
        %swap3A_656 = vector.shape_cast %add3A_651 : vector<16xf32> to vector<1x16xf32>
        tpu.vector_store %arg8[%swap3A_652, %swap3A_653], %swap3A_656 {strides = array<i32>} : memref<32x768xf32, #tpu.memory_space<vmem>>, vector<1x16xf32>,
        %get3A_657 = arith.index_cast %scan3A_28 : i32 to index
        %get3A_658 = arith.constant 720 : index
        %get3A_659 = tpu.vector_load %arg8[%get3A_657, %get3A_658] {strides = array<i32>} : memref<32x768xf32, #tpu.memory_space<vmem>>, vector<1x16xf32>,
        %get3A_660 = vector.shape_cast %get3A_659 : vector<1x16xf32> to vector<16xf32>
        %get3A_661 = arith.index_cast %scan3A_28 : i32 to index
        %get3A_662 = arith.constant 720 : index
        %get3A_663 = tpu.vector_load %arg9[%get3A_661, %get3A_662] {strides = array<i32>} : memref<32x768xf32, #tpu.memory_space<vmem>>, vector<1x16xf32>,
        %get3A_664 = vector.shape_cast %get3A_663 : vector<1x16xf32> to vector<16xf32>
        %add3A_665 = arith.addf %get3A_660, %get3A_664 : vector<16xf32>
        %swap3A_666 = arith.index_cast %scan3A_28 : i32 to index
        %swap3A_667 = arith.constant 720 : index
        %swap3A_668 = tpu.vector_load %arg8[%swap3A_666, %swap3A_667] {strides = array<i32>} : memref<32x768xf32, #tpu.memory_space<vmem>>, vector<1x16xf32>,
        %swap3A_669 = vector.shape_cast %swap3A_668 : vector<1x16xf32> to vector<16xf32>
        %swap3A_670 = vector.shape_cast %add3A_665 : vector<16xf32> to vector<1x16xf32>
        tpu.vector_store %arg8[%swap3A_666, %swap3A_667], %swap3A_670 {strides = array<i32>} : memref<32x768xf32, #tpu.memory_space<vmem>>, vector<1x16xf32>,
        %get3A_671 = arith.index_cast %scan3A_28 : i32 to index
        %get3A_672 = arith.constant 736 : index
        %get3A_673 = tpu.vector_load %arg8[%get3A_671, %get3A_672] {strides = array<i32>} : memref<32x768xf32, #tpu.memory_space<vmem>>, vector<1x16xf32>,
        %get3A_674 = vector.shape_cast %get3A_673 : vector<1x16xf32> to vector<16xf32>
        %get3A_675 = arith.index_cast %scan3A_28 : i32 to index
        %get3A_676 = arith.constant 736 : index
        %get3A_677 = tpu.vector_load %arg9[%get3A_675, %get3A_676] {strides = array<i32>} : memref<32x768xf32, #tpu.memory_space<vmem>>, vector<1x16xf32>,
        %get3A_678 = vector.shape_cast %get3A_677 : vector<1x16xf32> to vector<16xf32>
        %add3A_679 = arith.addf %get3A_674, %get3A_678 : vector<16xf32>
        %swap3A_680 = arith.index_cast %scan3A_28 : i32 to index
        %swap3A_681 = arith.constant 736 : index
        %swap3A_682 = tpu.vector_load %arg8[%swap3A_680, %swap3A_681] {strides = array<i32>} : memref<32x768xf32, #tpu.memory_space<vmem>>, vector<1x16xf32>,
        %swap3A_683 = vector.shape_cast %swap3A_682 : vector<1x16xf32> to vector<16xf32>
        %swap3A_684 = vector.shape_cast %add3A_679 : vector<16xf32> to vector<1x16xf32>
        tpu.vector_store %arg8[%swap3A_680, %swap3A_681], %swap3A_684 {strides = array<i32>} : memref<32x768xf32, #tpu.memory_space<vmem>>, vector<1x16xf32>,
        %get3A_685 = arith.index_cast %scan3A_28 : i32 to index
        %get3A_686 = arith.constant 752 : index
        %get3A_687 = tpu.vector_load %arg8[%get3A_685, %get3A_686] {strides = array<i32>} : memref<32x768xf32, #tpu.memory_space<vmem>>, vector<1x16xf32>,
        %get3A_688 = vector.shape_cast %get3A_687 : vector<1x16xf32> to vector<16xf32>
        %get3A_689 = arith.index_cast %scan3A_28 : i32 to index
        %get3A_690 = arith.constant 752 : index
        %get3A_691 = tpu.vector_load %arg9[%get3A_689, %get3A_690] {strides = array<i32>} : memref<32x768xf32, #tpu.memory_space<vmem>>, vector<1x16xf32>,
        %get3A_692 = vector.shape_cast %get3A_691 : vector<1x16xf32> to vector<16xf32>
        %add3A_693 = arith.addf %get3A_688, %get3A_692 : vector<16xf32>
        %swap3A_694 = arith.index_cast %scan3A_28 : i32 to index
        %swap3A_695 = arith.constant 752 : index
        %swap3A_696 = tpu.vector_load %arg8[%swap3A_694, %swap3A_695] {strides = array<i32>} : memref<32x768xf32, #tpu.memory_space<vmem>>, vector<1x16xf32>,
        %swap3A_697 = vector.shape_cast %swap3A_696 : vector<1x16xf32> to vector<16xf32>
        %swap3A_698 = vector.shape_cast %add3A_693 : vector<16xf32> to vector<1x16xf32>
        tpu.vector_store %arg8[%swap3A_694, %swap3A_695], %swap3A_698 {strides = array<i32>} : memref<32x768xf32, #tpu.memory_space<vmem>>, vector<1x16xf32>,
      }
      %scan3A_27 = arith.constant 32 : i32
      "tpu.region"() ({
        %run_scoped3A = tpu.sem_alloc : memref<!tpu.dma_semaphore, #tpu.memory_space<semaphore_mem>>
        %dma_start3A_28 = arith.constant 0 : i32
        %dma_start3A_29 = tpu.memref_slice %arg5[%add3A_11, %dma_start3A_28] : memref<2048x768xf32, #tpu.memory_space<hbm>> -> memref<32x768xf32, #tpu.memory_space<hbm>>
        %dma_start3A_30 = arith.constant 0 : i32
        %dma_start3A_31 = tpu.memref_slice %arg5[%add3A_11, %dma_start3A_30] : memref<2048x768xf32, #tpu.memory_space<hbm>> -> memref<32x768xf32, #tpu.memory_space<hbm>>
        tpu.enqueue_dma source(%arg8 : memref<32x768xf32, #tpu.memory_space<vmem>>) target(%dma_start3A_31 : memref<32x768xf32, #tpu.memory_space<hbm>>) target_semaphore(%run_scoped3A : memref<!tpu.dma_semaphore, #tpu.memory_space<semaphore_mem>>)
        %dma_wait3A_32 = arith.constant 0 : i32
        %dma_wait3A_33 = tpu.memref_slice %arg5[%add3A_11, %dma_wait3A_32] : memref<2048x768xf32, #tpu.memory_space<hbm>> -> memref<32x768xf32, #tpu.memory_space<hbm>>
        %dma_wait3A_34 = arith.constant 0 : i32
        %dma_wait3A_35 = tpu.memref_slice %arg5[%add3A_11, %dma_wait3A_34] : memref<2048x768xf32, #tpu.memory_space<hbm>> -> memref<32x768xf32, #tpu.memory_space<hbm>>
        tpu.wait_dma2 semaphore(%run_scoped3A : memref<!tpu.dma_semaphore, #tpu.memory_space<semaphore_mem>>) src(%arg8 : memref<32x768xf32, #tpu.memory_space<vmem>>) dst(%dma_wait3A_35 : memref<32x768xf32, #tpu.memory_space<hbm>>)
        tpu.yield
      }) : () -> ()
    }
    %scan3A_5 = arith.constant 2 : i32
    return
  }
}

#map = affine_map<(d0, d1) -> (0, 0)>
#map1 = affine_map<(d0, d1) -> (0)>
module attributes {stable_mosaic.version = 14 : i64} {
  func.func @k(%arg0: i32, %arg1: i32, %arg2: memref<2048x768xf32, #tpu.memory_space<hbm>>, %arg3: memref<2048xi32, #tpu.memory_space<hbm>>, %arg4: memref<2048xi32, #tpu.memory_space<hbm>>, %arg5: memref<2048x128xf32, #tpu.memory_space<hbm>>, %arg6: memref<2048x128xf32, #tpu.memory_space<hbm>>, %arg7: memref<10752x768xf32, #tpu.memory_space<hbm>>, %arg8: memref<10752x128xf32, #tpu.memory_space<hbm>>, %arg9: memref<64xi32, #tpu.memory_space<vmem>>, %arg10: memref<64xi32, #tpu.memory_space<vmem>>, %arg11: memref<64x768xf32, #tpu.memory_space<vmem>>, %arg12: memref<64x128xf32, #tpu.memory_space<vmem>>, %arg13: memref<64x128xf32, #tpu.memory_space<vmem>>, %arg14: memref<!tpu.dma_semaphore, #tpu.memory_space<semaphore_mem>>) attributes {dimension_semantics = [#tpu.dimension_semantics<core_parallel>, #tpu.dimension_semantics<subcore_parallel>], iteration_bounds = array<i64: 2, 16>, scalar_prefetch = 0 : i64, scratch_operands = 6 : i64, tpu.core_type = #tpu.core_type<sc_vector_subcore>, window_params = [{transform_indices = #map}, {transform_indices = #map1}, {transform_indices = #map1}, {transform_indices = #map}, {transform_indices = #map}, {transform_indices = #map}, {transform_indices = #map}]} {
    %mul3A = arith.constant 2 : i32
    %mul3A_0 = arith.muli %arg1, %mul3A : i32
    %add3A = arith.addi %mul3A_0, %arg0 : i32
    %mul3A_1 = arith.constant 64 : i32
    %mul3A_2 = arith.muli %add3A, %mul3A_1 : i32
    "tpu.region"() ({
      %run_scoped3A = tpu.sem_alloc : memref<!tpu.dma_semaphore, #tpu.memory_space<semaphore_mem>>
      %dma_start3A_25 = tpu.memref_slice %arg3[%mul3A_2] : memref<2048xi32, #tpu.memory_space<hbm>> -> memref<64xi32, #tpu.memory_space<hbm>>
      %dma_start3A_26 = tpu.memref_slice %arg3[%mul3A_2] : memref<2048xi32, #tpu.memory_space<hbm>> -> memref<64xi32, #tpu.memory_space<hbm>>
      tpu.enqueue_dma source(%dma_start3A_26 : memref<64xi32, #tpu.memory_space<hbm>>) target(%arg9 : memref<64xi32, #tpu.memory_space<vmem>>) target_semaphore(%run_scoped3A : memref<!tpu.dma_semaphore, #tpu.memory_space<semaphore_mem>>)
      %dma_wait3A_27 = tpu.memref_slice %arg3[%mul3A_2] : memref<2048xi32, #tpu.memory_space<hbm>> -> memref<64xi32, #tpu.memory_space<hbm>>
      %dma_wait3A_28 = tpu.memref_slice %arg3[%mul3A_2] : memref<2048xi32, #tpu.memory_space<hbm>> -> memref<64xi32, #tpu.memory_space<hbm>>
      tpu.wait_dma2 semaphore(%run_scoped3A : memref<!tpu.dma_semaphore, #tpu.memory_space<semaphore_mem>>) src(%dma_wait3A_28 : memref<64xi32, #tpu.memory_space<hbm>>) dst(%arg9 : memref<64xi32, #tpu.memory_space<vmem>>)
      tpu.yield
    }) : () -> ()
    "tpu.region"() ({
      %run_scoped3A = tpu.sem_alloc : memref<!tpu.dma_semaphore, #tpu.memory_space<semaphore_mem>>
      %dma_start3A_25 = tpu.memref_slice %arg4[%mul3A_2] : memref<2048xi32, #tpu.memory_space<hbm>> -> memref<64xi32, #tpu.memory_space<hbm>>
      %dma_start3A_26 = tpu.memref_slice %arg4[%mul3A_2] : memref<2048xi32, #tpu.memory_space<hbm>> -> memref<64xi32, #tpu.memory_space<hbm>>
      tpu.enqueue_dma source(%dma_start3A_26 : memref<64xi32, #tpu.memory_space<hbm>>) target(%arg10 : memref<64xi32, #tpu.memory_space<vmem>>) target_semaphore(%run_scoped3A : memref<!tpu.dma_semaphore, #tpu.memory_space<semaphore_mem>>)
      %dma_wait3A_27 = tpu.memref_slice %arg4[%mul3A_2] : memref<2048xi32, #tpu.memory_space<hbm>> -> memref<64xi32, #tpu.memory_space<hbm>>
      %dma_wait3A_28 = tpu.memref_slice %arg4[%mul3A_2] : memref<2048xi32, #tpu.memory_space<hbm>> -> memref<64xi32, #tpu.memory_space<hbm>>
      tpu.wait_dma2 semaphore(%run_scoped3A : memref<!tpu.dma_semaphore, #tpu.memory_space<semaphore_mem>>) src(%dma_wait3A_28 : memref<64xi32, #tpu.memory_space<hbm>>) dst(%arg10 : memref<64xi32, #tpu.memory_space<vmem>>)
      tpu.yield
    }) : () -> ()
    "tpu.region"() ({
      %run_scoped3A = tpu.sem_alloc : memref<!tpu.dma_semaphore, #tpu.memory_space<semaphore_mem>>
      %dma_start3A_25 = arith.constant 0 : i32
      %dma_start3A_26 = tpu.memref_slice %arg2[%mul3A_2, %dma_start3A_25] : memref<2048x768xf32, #tpu.memory_space<hbm>> -> memref<64x768xf32, #tpu.memory_space<hbm>>
      %dma_start3A_27 = arith.constant 0 : i32
      %dma_start3A_28 = tpu.memref_slice %arg2[%mul3A_2, %dma_start3A_27] : memref<2048x768xf32, #tpu.memory_space<hbm>> -> memref<64x768xf32, #tpu.memory_space<hbm>>
      tpu.enqueue_dma source(%dma_start3A_28 : memref<64x768xf32, #tpu.memory_space<hbm>>) target(%arg11 : memref<64x768xf32, #tpu.memory_space<vmem>>) target_semaphore(%run_scoped3A : memref<!tpu.dma_semaphore, #tpu.memory_space<semaphore_mem>>)
      %dma_wait3A_29 = arith.constant 0 : i32
      %dma_wait3A_30 = tpu.memref_slice %arg2[%mul3A_2, %dma_wait3A_29] : memref<2048x768xf32, #tpu.memory_space<hbm>> -> memref<64x768xf32, #tpu.memory_space<hbm>>
      %dma_wait3A_31 = arith.constant 0 : i32
      %dma_wait3A_32 = tpu.memref_slice %arg2[%mul3A_2, %dma_wait3A_31] : memref<2048x768xf32, #tpu.memory_space<hbm>> -> memref<64x768xf32, #tpu.memory_space<hbm>>
      tpu.wait_dma2 semaphore(%run_scoped3A : memref<!tpu.dma_semaphore, #tpu.memory_space<semaphore_mem>>) src(%dma_wait3A_32 : memref<64x768xf32, #tpu.memory_space<hbm>>) dst(%arg11 : memref<64x768xf32, #tpu.memory_space<vmem>>)
      tpu.yield
    }) : () -> ()
    "tpu.region"() ({
      %run_scoped3A = tpu.sem_alloc : memref<!tpu.dma_semaphore, #tpu.memory_space<semaphore_mem>>
      %dma_start3A_25 = arith.constant 0 : i32
      %dma_start3A_26 = tpu.memref_slice %arg5[%mul3A_2, %dma_start3A_25] : memref<2048x128xf32, #tpu.memory_space<hbm>> -> memref<64x128xf32, #tpu.memory_space<hbm>>
      %dma_start3A_27 = arith.constant 0 : i32
      %dma_start3A_28 = tpu.memref_slice %arg5[%mul3A_2, %dma_start3A_27] : memref<2048x128xf32, #tpu.memory_space<hbm>> -> memref<64x128xf32, #tpu.memory_space<hbm>>
      tpu.enqueue_dma source(%dma_start3A_28 : memref<64x128xf32, #tpu.memory_space<hbm>>) target(%arg12 : memref<64x128xf32, #tpu.memory_space<vmem>>) target_semaphore(%run_scoped3A : memref<!tpu.dma_semaphore, #tpu.memory_space<semaphore_mem>>)
      %dma_wait3A_29 = arith.constant 0 : i32
      %dma_wait3A_30 = tpu.memref_slice %arg5[%mul3A_2, %dma_wait3A_29] : memref<2048x128xf32, #tpu.memory_space<hbm>> -> memref<64x128xf32, #tpu.memory_space<hbm>>
      %dma_wait3A_31 = arith.constant 0 : i32
      %dma_wait3A_32 = tpu.memref_slice %arg5[%mul3A_2, %dma_wait3A_31] : memref<2048x128xf32, #tpu.memory_space<hbm>> -> memref<64x128xf32, #tpu.memory_space<hbm>>
      tpu.wait_dma2 semaphore(%run_scoped3A : memref<!tpu.dma_semaphore, #tpu.memory_space<semaphore_mem>>) src(%dma_wait3A_32 : memref<64x128xf32, #tpu.memory_space<hbm>>) dst(%arg12 : memref<64x128xf32, #tpu.memory_space<vmem>>)
      tpu.yield
    }) : () -> ()
    "tpu.region"() ({
      %run_scoped3A = tpu.sem_alloc : memref<!tpu.dma_semaphore, #tpu.memory_space<semaphore_mem>>
      %dma_start3A_25 = arith.constant 0 : i32
      %dma_start3A_26 = tpu.memref_slice %arg6[%mul3A_2, %dma_start3A_25] : memref<2048x128xf32, #tpu.memory_space<hbm>> -> memref<64x128xf32, #tpu.memory_space<hbm>>
      %dma_start3A_27 = arith.constant 0 : i32
      %dma_start3A_28 = tpu.memref_slice %arg6[%mul3A_2, %dma_start3A_27] : memref<2048x128xf32, #tpu.memory_space<hbm>> -> memref<64x128xf32, #tpu.memory_space<hbm>>
      tpu.enqueue_dma source(%dma_start3A_28 : memref<64x128xf32, #tpu.memory_space<hbm>>) target(%arg13 : memref<64x128xf32, #tpu.memory_space<vmem>>) target_semaphore(%run_scoped3A : memref<!tpu.dma_semaphore, #tpu.memory_space<semaphore_mem>>)
      %dma_wait3A_29 = arith.constant 0 : i32
      %dma_wait3A_30 = tpu.memref_slice %arg6[%mul3A_2, %dma_wait3A_29] : memref<2048x128xf32, #tpu.memory_space<hbm>> -> memref<64x128xf32, #tpu.memory_space<hbm>>
      %dma_wait3A_31 = arith.constant 0 : i32
      %dma_wait3A_32 = tpu.memref_slice %arg6[%mul3A_2, %dma_wait3A_31] : memref<2048x128xf32, #tpu.memory_space<hbm>> -> memref<64x128xf32, #tpu.memory_space<hbm>>
      tpu.wait_dma2 semaphore(%run_scoped3A : memref<!tpu.dma_semaphore, #tpu.memory_space<semaphore_mem>>) src(%dma_wait3A_32 : memref<64x128xf32, #tpu.memory_space<hbm>>) dst(%arg13 : memref<64x128xf32, #tpu.memory_space<vmem>>)
      tpu.yield
    }) : () -> ()
    %dma_start3A = arith.constant 0 : i32
    %dma_start3A_3 = arith.constant 0 : i32
    %dma_start3A_4 = tpu.memref_slice %arg7[%dma_start3A, %dma_start3A_3] : memref<10752x768xf32, #tpu.memory_space<hbm>> -> memref<10752x768xf32, #tpu.memory_space<hbm>>
    tpu.enqueue_indirect_dma source(%arg11 : memref<64x768xf32, #tpu.memory_space<vmem>>) target(%dma_start3A_4 : memref<10752x768xf32, #tpu.memory_space<hbm>>) offsets(%arg9 : memref<64xi32, #tpu.memory_space<vmem>>) semaphore(%arg14 : memref<!tpu.dma_semaphore, #tpu.memory_space<semaphore_mem>>)
    %dma_start3A_5 = arith.constant 0 : i32
    %dma_start3A_6 = arith.constant 0 : i32
    %dma_start3A_7 = tpu.memref_slice %arg7[%dma_start3A_5, %dma_start3A_6] : memref<10752x768xf32, #tpu.memory_space<hbm>> -> memref<10752x768xf32, #tpu.memory_space<hbm>>
    tpu.enqueue_indirect_dma source(%arg11 : memref<64x768xf32, #tpu.memory_space<vmem>>) target(%dma_start3A_7 : memref<10752x768xf32, #tpu.memory_space<hbm>>) offsets(%arg10 : memref<64xi32, #tpu.memory_space<vmem>>) semaphore(%arg14 : memref<!tpu.dma_semaphore, #tpu.memory_space<semaphore_mem>>)
    %dma_start3A_8 = arith.constant 0 : i32
    %dma_start3A_9 = arith.constant 0 : i32
    %dma_start3A_10 = tpu.memref_slice %arg8[%dma_start3A_8, %dma_start3A_9] : memref<10752x128xf32, #tpu.memory_space<hbm>> -> memref<10752x128xf32, #tpu.memory_space<hbm>>
    tpu.enqueue_indirect_dma source(%arg12 : memref<64x128xf32, #tpu.memory_space<vmem>>) target(%dma_start3A_10 : memref<10752x128xf32, #tpu.memory_space<hbm>>) offsets(%arg9 : memref<64xi32, #tpu.memory_space<vmem>>) semaphore(%arg14 : memref<!tpu.dma_semaphore, #tpu.memory_space<semaphore_mem>>)
    %dma_start3A_11 = arith.constant 0 : i32
    %dma_start3A_12 = arith.constant 0 : i32
    %dma_start3A_13 = tpu.memref_slice %arg8[%dma_start3A_11, %dma_start3A_12] : memref<10752x128xf32, #tpu.memory_space<hbm>> -> memref<10752x128xf32, #tpu.memory_space<hbm>>
    tpu.enqueue_indirect_dma source(%arg13 : memref<64x128xf32, #tpu.memory_space<vmem>>) target(%dma_start3A_13 : memref<10752x128xf32, #tpu.memory_space<hbm>>) offsets(%arg10 : memref<64xi32, #tpu.memory_space<vmem>>) semaphore(%arg14 : memref<!tpu.dma_semaphore, #tpu.memory_space<semaphore_mem>>)
    %dma_wait3A = arith.constant 0 : i32
    %dma_wait3A_14 = arith.constant 0 : i32
    %dma_wait3A_15 = tpu.memref_slice %arg7[%dma_wait3A, %dma_wait3A_14] : memref<10752x768xf32, #tpu.memory_space<hbm>> -> memref<10752x768xf32, #tpu.memory_space<hbm>>
    tpu.wait_indirect_dma semaphore(%arg14 : memref<!tpu.dma_semaphore, #tpu.memory_space<semaphore_mem>>) src(%arg11 : memref<64x768xf32, #tpu.memory_space<vmem>>) dst(%dma_wait3A_15 : memref<10752x768xf32, #tpu.memory_space<hbm>>)
    %dma_wait3A_16 = arith.constant 0 : i32
    %dma_wait3A_17 = arith.constant 0 : i32
    %dma_wait3A_18 = tpu.memref_slice %arg7[%dma_wait3A_16, %dma_wait3A_17] : memref<10752x768xf32, #tpu.memory_space<hbm>> -> memref<10752x768xf32, #tpu.memory_space<hbm>>
    tpu.wait_indirect_dma semaphore(%arg14 : memref<!tpu.dma_semaphore, #tpu.memory_space<semaphore_mem>>) src(%arg11 : memref<64x768xf32, #tpu.memory_space<vmem>>) dst(%dma_wait3A_18 : memref<10752x768xf32, #tpu.memory_space<hbm>>)
    %dma_wait3A_19 = arith.constant 0 : i32
    %dma_wait3A_20 = arith.constant 0 : i32
    %dma_wait3A_21 = tpu.memref_slice %arg8[%dma_wait3A_19, %dma_wait3A_20] : memref<10752x128xf32, #tpu.memory_space<hbm>> -> memref<10752x128xf32, #tpu.memory_space<hbm>>
    tpu.wait_indirect_dma semaphore(%arg14 : memref<!tpu.dma_semaphore, #tpu.memory_space<semaphore_mem>>) src(%arg12 : memref<64x128xf32, #tpu.memory_space<vmem>>) dst(%dma_wait3A_21 : memref<10752x128xf32, #tpu.memory_space<hbm>>)
    %dma_wait3A_22 = arith.constant 0 : i32
    %dma_wait3A_23 = arith.constant 0 : i32
    %dma_wait3A_24 = tpu.memref_slice %arg8[%dma_wait3A_22, %dma_wait3A_23] : memref<10752x128xf32, #tpu.memory_space<hbm>> -> memref<10752x128xf32, #tpu.memory_space<hbm>>
    tpu.wait_indirect_dma semaphore(%arg14 : memref<!tpu.dma_semaphore, #tpu.memory_space<semaphore_mem>>) src(%arg13 : memref<64x128xf32, #tpu.memory_space<vmem>>) dst(%dma_wait3A_24 : memref<10752x128xf32, #tpu.memory_space<hbm>>)
    return
  }
}

module attributes {stable_mosaic.version = 14 : i64} {
  func.func @_gate_body(%arg0: memref<2048x768xf32, #tpu.memory_space<vmem>>, %arg1: memref<8x768xf32, #tpu.memory_space<vmem>>, %arg2: memref<2048x1xi32, #tpu.memory_space<vmem>>, %arg3: memref<2048x1xi32, #tpu.memory_space<vmem>>, %arg4: memref<2048x128xf32, #tpu.memory_space<vmem>>, %arg5: memref<2048x128xf32, #tpu.memory_space<vmem>>, %arg6: memref<1x14xi32, #tpu.memory_space<vmem>>, %arg7: memref<1x14xi32, #tpu.memory_space<vmem>>, %arg8: memref<1x1xf32, #tpu.memory_space<vmem>>) attributes {dimension_semantics = [], scalar_prefetch = 0 : i64, scratch_operands = 0 : i64, tpu.core_type = #tpu.core_type<tc>} {
    %get3A = arith.constant 0 : index
    %get3A_0 = arith.constant 0 : index
    %get3A_1 = vector.load %arg0[%get3A, %get3A_0] : memref<2048x768xf32, #tpu.memory_space<vmem>>, vector<2048x768xf32>
    %get3A_2 = arith.constant 0 : index
    %get3A_3 = arith.constant 0 : index
    %get3A_4 = vector.load %arg1[%get3A_2, %get3A_3] : memref<8x768xf32, #tpu.memory_space<vmem>>, vector<8x768xf32>
    %dot_general3A = arith.constant dense<0.000000e+00> : vector<2048x8xf32>
    %dot_general3A_5 = tpu.matmul %get3A_1, %get3A_4, %dot_general3A {dimension_numbers = #tpu.dot_dimension_numbers<[1], [1], [0], [0], [0, 0, 1, 0], [], []>, transpose_lhs_hint = false} : vector<2048x768xf32>, vector<8x768xf32>, vector<2048x8xf32> -> vector<2048x8xf32>
    %reduce_max3A = arith.constant dense<0xFF800000> : vector<2048xf32>
    %reduce_max3A_6 = vector.multi_reduction <maximumf>, %dot_general3A_5, %reduce_max3A [1] : vector<2048x8xf32> to vector<2048xf32>
    %broadcast_in_dim3A = vector.shape_cast %reduce_max3A_6 : vector<2048xf32> to vector<2048x1xf32>
    %sub3A = vector.broadcast %broadcast_in_dim3A : vector<2048x1xf32> to vector<2048x8xf32>
    %sub3A_7 = arith.subf %dot_general3A_5, %sub3A : vector<2048x8xf32>
    %exp3A = math.exp %sub3A_7 : vector<2048x8xf32>
    %reduce_sum3A = arith.constant dense<0.000000e+00> : vector<2048xf32>
    %reduce_sum3A_8 = vector.multi_reduction <add>, %exp3A, %reduce_sum3A [1] : vector<2048x8xf32> to vector<2048xf32>
    %broadcast_in_dim3A_9 = vector.shape_cast %reduce_sum3A_8 : vector<2048xf32> to vector<2048x1xf32>
    %div3A = vector.broadcast %broadcast_in_dim3A_9 : vector<2048x1xf32> to vector<2048x8xf32>
    %div3A_10 = arith.divf %exp3A, %div3A : vector<2048x8xf32>
    %iota3A = tpu.iota {dimensions = array<i32: 1>} : vector<2048x8xi32>
    %reduce_max3A_11 = arith.constant dense<0xFF800000> : vector<2048xf32>
    %reduce_max3A_12 = vector.multi_reduction <maximumf>, %div3A_10, %reduce_max3A_11 [1] : vector<2048x8xf32> to vector<2048xf32>
    %broadcast_in_dim3A_13 = vector.shape_cast %reduce_max3A_12 : vector<2048xf32> to vector<2048x1xf32>
    %eq3A = vector.broadcast %broadcast_in_dim3A_13 : vector<2048x1xf32> to vector<2048x8xf32>
    %eq3A_14 = arith.cmpf oeq, %div3A_10, %eq3A : vector<2048x8xf32>
    %jit3A = arith.constant 8 : i32
    %broadcast_in_dim3A_15 = vector.broadcast %jit3A : i32 to vector<2048x8xi32>
    %select_n3A = arith.select %eq3A_14, %iota3A, %broadcast_in_dim3A_15 : vector<2048x8xi1>, vector<2048x8xi32>
    %reduce_min3A = arith.constant dense<2147483647> : vector<2048xi32>
    %reduce_min3A_16 = vector.multi_reduction <minsi>, %select_n3A, %reduce_min3A [1] : vector<2048x8xi32> to vector<2048xi32>
    %broadcast_in_dim3A_17 = vector.shape_cast %reduce_min3A_16 : vector<2048xi32> to vector<2048x1xi32>
    %eq3A_18 = vector.broadcast %broadcast_in_dim3A_17 : vector<2048x1xi32> to vector<2048x8xi32>
    %eq3A_19 = arith.cmpi eq, %iota3A, %eq3A_18 : vector<2048x8xi32>
    %jit3A_20 = arith.constant 0xFF800000 : f32
    %broadcast_in_dim3A_21 = vector.broadcast %jit3A_20 : f32 to vector<2048x8xf32>
    %select_n3A_22 = arith.select %eq3A_19, %broadcast_in_dim3A_21, %div3A_10 : vector<2048x8xi1>, vector<2048x8xf32>
    %reduce_max3A_23 = arith.constant dense<0xFF800000> : vector<2048xf32>
    %reduce_max3A_24 = vector.multi_reduction <maximumf>, %select_n3A_22, %reduce_max3A_23 [1] : vector<2048x8xf32> to vector<2048xf32>
    %broadcast_in_dim3A_25 = vector.shape_cast %reduce_max3A_24 : vector<2048xf32> to vector<2048x1xf32>
    %eq3A_26 = vector.broadcast %broadcast_in_dim3A_25 : vector<2048x1xf32> to vector<2048x8xf32>
    %eq3A_27 = arith.cmpf oeq, %select_n3A_22, %eq3A_26 : vector<2048x8xf32>
    %jit3A_28 = arith.constant 8 : i32
    %broadcast_in_dim3A_29 = vector.broadcast %jit3A_28 : i32 to vector<2048x8xi32>
    %select_n3A_30 = arith.select %eq3A_27, %iota3A, %broadcast_in_dim3A_29 : vector<2048x8xi1>, vector<2048x8xi32>
    %reduce_min3A_31 = arith.constant dense<2147483647> : vector<2048xi32>
    %reduce_min3A_32 = vector.multi_reduction <minsi>, %select_n3A_30, %reduce_min3A_31 [1] : vector<2048x8xi32> to vector<2048xi32>
    %broadcast_in_dim3A_33 = vector.shape_cast %reduce_min3A_32 : vector<2048xi32> to vector<2048x1xi32>
    %eq3A_34 = vector.broadcast %broadcast_in_dim3A_33 : vector<2048x1xi32> to vector<2048x8xi32>
    %eq3A_35 = arith.cmpi eq, %iota3A, %eq3A_34 : vector<2048x8xi32>
    %add3A = arith.addf %broadcast_in_dim3A_13, %broadcast_in_dim3A_25 : vector<2048x1xf32>
    %add3A_36 = arith.constant 9.99999971E-10 : f32
    %add3A_37 = vector.broadcast %add3A_36 : f32 to vector<2048x1xf32>
    %add3A_38 = arith.addf %add3A, %add3A_37 : vector<2048x1xf32>
    %convert_element_type3A = arith.extui %eq3A_19 : vector<2048x8xi1> to vector<2048x8xi32>
    %convert_element_type3A_39 = arith.sitofp %convert_element_type3A : vector<2048x8xi32> to vector<2048x8xf32>
    %convert_element_type3A_40 = arith.extui %eq3A_35 : vector<2048x8xi1> to vector<2048x8xi32>
    %convert_element_type3A_41 = arith.sitofp %convert_element_type3A_40 : vector<2048x8xi32> to vector<2048x8xf32>
    %div3A_42 = arith.divf %broadcast_in_dim3A_13, %add3A_38 : vector<2048x1xf32>
    %broadcast_in_dim3A_43 = vector.shape_cast %div3A_42 : vector<2048x1xf32> to vector<2048x1xf32>
    %broadcast_in_dim3A_44 = vector.broadcast %broadcast_in_dim3A_43 : vector<2048x1xf32> to vector<2048x128xf32>
    %swap3A = arith.constant 0 : index
    %swap3A_45 = arith.constant 0 : index
    %swap3A_46 = vector.load %arg4[%swap3A, %swap3A_45] : memref<2048x128xf32, #tpu.memory_space<vmem>>, vector<2048x128xf32>
    tpu.vector_store %arg4[%swap3A, %swap3A_45], %broadcast_in_dim3A_44 {strides = array<i32>} : memref<2048x128xf32, #tpu.memory_space<vmem>>, vector<2048x128xf32>,
    %div3A_47 = arith.divf %broadcast_in_dim3A_25, %add3A_38 : vector<2048x1xf32>
    %broadcast_in_dim3A_48 = vector.shape_cast %div3A_47 : vector<2048x1xf32> to vector<2048x1xf32>
    %broadcast_in_dim3A_49 = vector.broadcast %broadcast_in_dim3A_48 : vector<2048x1xf32> to vector<2048x128xf32>
    %swap3A_50 = arith.constant 0 : index
    %swap3A_51 = arith.constant 0 : index
    %swap3A_52 = vector.load %arg5[%swap3A_50, %swap3A_51] : memref<2048x128xf32, #tpu.memory_space<vmem>>, vector<2048x128xf32>
    tpu.vector_store %arg5[%swap3A_50, %swap3A_51], %broadcast_in_dim3A_49 {strides = array<i32>} : memref<2048x128xf32, #tpu.memory_space<vmem>>, vector<2048x128xf32>,
    %add3A_53 = arith.addf %convert_element_type3A_39, %convert_element_type3A_41 : vector<2048x8xf32>
    %reduce_sum3A_54 = arith.constant dense<0.000000e+00> : vector<8xf32>
    %reduce_sum3A_55 = vector.multi_reduction <add>, %add3A_53, %reduce_sum3A_54 [0] : vector<2048x8xf32> to vector<8xf32>
    %div3A_56 = arith.constant 2.048000e+03 : f32
    %div3A_57 = vector.broadcast %div3A_56 : f32 to vector<8xf32>
    %div3A_58 = arith.divf %reduce_sum3A_55, %div3A_57 : vector<8xf32>
    %reduce_sum3A_59 = arith.constant dense<0.000000e+00> : vector<8xf32>
    %reduce_sum3A_60 = vector.multi_reduction <add>, %div3A_10, %reduce_sum3A_59 [0] : vector<2048x8xf32> to vector<8xf32>
    %div3A_61 = arith.constant 2.048000e+03 : f32
    %div3A_62 = vector.broadcast %div3A_61 : f32 to vector<8xf32>
    %div3A_63 = arith.divf %reduce_sum3A_60, %div3A_62 : vector<8xf32>
    %mul3A = arith.mulf %div3A_58, %div3A_63 : vector<8xf32>
    %reduce_sum3A_64 = vector.shape_cast %mul3A : vector<8xf32> to vector<1x8xf32>
    %reduce_sum3A_65 = arith.constant dense<0.000000e+00> : vector<1xf32>
    %reduce_sum3A_66 = vector.multi_reduction <add>, %reduce_sum3A_64, %reduce_sum3A_65 [1] : vector<1x8xf32> to vector<1xf32>
    %reduce_sum3A_67 = vector.shape_cast %reduce_sum3A_66 : vector<1xf32> to vector<1x1xf32>
    %reduce_sum3A_68 = vector.extract %reduce_sum3A_67[0, 0] : f32 from vector<1x1xf32>
    %mul3A_69 = arith.constant 8.000000e-02 : f32
    %mul3A_70 = arith.mulf %mul3A_69, %reduce_sum3A_68 : f32
    %reshape3A = vector.broadcast %mul3A_70 : f32 to vector<1x1xf32>
    %swap3A_71 = arith.constant 0 : index
    %swap3A_72 = arith.constant 0 : index
    %swap3A_73 = vector.load %arg8[%swap3A_71, %swap3A_72] : memref<1x1xf32, #tpu.memory_space<vmem>>, vector<1x1xf32>
    tpu.vector_store %arg8[%swap3A_71, %swap3A_72], %reshape3A {strides = array<i32>} : memref<1x1xf32, #tpu.memory_space<vmem>>, vector<1x1xf32>,
    %concatenate3A = tpu.concatenate %convert_element_type3A_39, %convert_element_type3A_41 in 0 : vector<2048x8xf32>, vector<2048x8xf32> -> vector<4096x8xf32>
    %iota3A_74 = tpu.iota {dimensions = array<i32: 0>} : vector<512x512xi32>
    %iota3A_75 = tpu.iota {dimensions = array<i32: 1>} : vector<512x512xi32>
    %lt3A = arith.cmpi slt, %iota3A_75, %iota3A_74 : vector<512x512xi32>
    %convert_element_type3A_76 = arith.extui %lt3A : vector<512x512xi1> to vector<512x512xi32>
    %convert_element_type3A_77 = arith.sitofp %convert_element_type3A_76 : vector<512x512xi32> to vector<512x512xf32>
    %convert_element_type3A_78 = arith.truncf %convert_element_type3A_77 : vector<512x512xf32> to vector<512x512xbf16>
    %broadcast_in_dim3A_79 = arith.constant 0.000000e+00 : f32
    %broadcast_in_dim3A_80 = vector.broadcast %broadcast_in_dim3A_79 : f32 to vector<1x8xf32>
    %slice3A = vector.extract_strided_slice %concatenate3A {offsets = [0, 0], sizes = [512, 8], strides = [1, 1]} : vector<4096x8xf32> to vector<512x8xf32>
    %convert_element_type3A_81 = arith.truncf %slice3A : vector<512x8xf32> to vector<512x8xbf16>
    %dot_general3A_82 = arith.constant dense<0.000000e+00> : vector<512x8xf32>
    %dot_general3A_83 = tpu.matmul %convert_element_type3A_78, %convert_element_type3A_81, %dot_general3A_82 {dimension_numbers = #tpu.dot_dimension_numbers<[1], [0], [0], [1], [0, 0, 1, 1], [], []>, transpose_lhs_hint = false} : vector<512x512xbf16>, vector<512x8xbf16>, vector<512x8xf32> -> vector<512x8xf32>
    %add3A_84 = vector.broadcast %broadcast_in_dim3A_80 : vector<1x8xf32> to vector<512x8xf32>
    %add3A_85 = arith.addf %dot_general3A_83, %add3A_84 : vector<512x8xf32>
    %reduce_sum3A_86 = arith.constant dense<0.000000e+00> : vector<8xf32>
    %reduce_sum3A_87 = vector.multi_reduction <add>, %slice3A, %reduce_sum3A_86 [0] : vector<512x8xf32> to vector<8xf32>
    %broadcast_in_dim3A_88 = vector.shape_cast %reduce_sum3A_87 : vector<8xf32> to vector<1x8xf32>
    %add3A_89 = arith.addf %broadcast_in_dim3A_80, %broadcast_in_dim3A_88 : vector<1x8xf32>
    %slice3A_90 = vector.extract_strided_slice %concatenate3A {offsets = [512, 0], sizes = [512, 8], strides = [1, 1]} : vector<4096x8xf32> to vector<512x8xf32>
    %convert_element_type3A_91 = arith.truncf %slice3A_90 : vector<512x8xf32> to vector<512x8xbf16>
    %dot_general3A_92 = arith.constant dense<0.000000e+00> : vector<512x8xf32>
    %dot_general3A_93 = tpu.matmul %convert_element_type3A_78, %convert_element_type3A_91, %dot_general3A_92 {dimension_numbers = #tpu.dot_dimension_numbers<[1], [0], [0], [1], [0, 0, 1, 1], [], []>, transpose_lhs_hint = false} : vector<512x512xbf16>, vector<512x8xbf16>, vector<512x8xf32> -> vector<512x8xf32>
    %add3A_94 = vector.broadcast %add3A_89 : vector<1x8xf32> to vector<512x8xf32>
    %add3A_95 = arith.addf %dot_general3A_93, %add3A_94 : vector<512x8xf32>
    %reduce_sum3A_96 = arith.constant dense<0.000000e+00> : vector<8xf32>
    %reduce_sum3A_97 = vector.multi_reduction <add>, %slice3A_90, %reduce_sum3A_96 [0] : vector<512x8xf32> to vector<8xf32>
    %broadcast_in_dim3A_98 = vector.shape_cast %reduce_sum3A_97 : vector<8xf32> to vector<1x8xf32>
    %add3A_99 = arith.addf %add3A_89, %broadcast_in_dim3A_98 : vector<1x8xf32>
    %slice3A_100 = vector.extract_strided_slice %concatenate3A {offsets = [1024, 0], sizes = [512, 8], strides = [1, 1]} : vector<4096x8xf32> to vector<512x8xf32>
    %convert_element_type3A_101 = arith.truncf %slice3A_100 : vector<512x8xf32> to vector<512x8xbf16>
    %dot_general3A_102 = arith.constant dense<0.000000e+00> : vector<512x8xf32>
    %dot_general3A_103 = tpu.matmul %convert_element_type3A_78, %convert_element_type3A_101, %dot_general3A_102 {dimension_numbers = #tpu.dot_dimension_numbers<[1], [0], [0], [1], [0, 0, 1, 1], [], []>, transpose_lhs_hint = false} : vector<512x512xbf16>, vector<512x8xbf16>, vector<512x8xf32> -> vector<512x8xf32>
    %add3A_104 = vector.broadcast %add3A_99 : vector<1x8xf32> to vector<512x8xf32>
    %add3A_105 = arith.addf %dot_general3A_103, %add3A_104 : vector<512x8xf32>
    %reduce_sum3A_106 = arith.constant dense<0.000000e+00> : vector<8xf32>
    %reduce_sum3A_107 = vector.multi_reduction <add>, %slice3A_100, %reduce_sum3A_106 [0] : vector<512x8xf32> to vector<8xf32>
    %broadcast_in_dim3A_108 = vector.shape_cast %reduce_sum3A_107 : vector<8xf32> to vector<1x8xf32>
    %add3A_109 = arith.addf %add3A_99, %broadcast_in_dim3A_108 : vector<1x8xf32>
    %slice3A_110 = vector.extract_strided_slice %concatenate3A {offsets = [1536, 0], sizes = [512, 8], strides = [1, 1]} : vector<4096x8xf32> to vector<512x8xf32>
    %convert_element_type3A_111 = arith.truncf %slice3A_110 : vector<512x8xf32> to vector<512x8xbf16>
    %dot_general3A_112 = arith.constant dense<0.000000e+00> : vector<512x8xf32>
    %dot_general3A_113 = tpu.matmul %convert_element_type3A_78, %convert_element_type3A_111, %dot_general3A_112 {dimension_numbers = #tpu.dot_dimension_numbers<[1], [0], [0], [1], [0, 0, 1, 1], [], []>, transpose_lhs_hint = false} : vector<512x512xbf16>, vector<512x8xbf16>, vector<512x8xf32> -> vector<512x8xf32>
    %add3A_114 = vector.broadcast %add3A_109 : vector<1x8xf32> to vector<512x8xf32>
    %add3A_115 = arith.addf %dot_general3A_113, %add3A_114 : vector<512x8xf32>
    %reduce_sum3A_116 = arith.constant dense<0.000000e+00> : vector<8xf32>
    %reduce_sum3A_117 = vector.multi_reduction <add>, %slice3A_110, %reduce_sum3A_116 [0] : vector<512x8xf32> to vector<8xf32>
    %broadcast_in_dim3A_118 = vector.shape_cast %reduce_sum3A_117 : vector<8xf32> to vector<1x8xf32>
    %add3A_119 = arith.addf %add3A_109, %broadcast_in_dim3A_118 : vector<1x8xf32>
    %slice3A_120 = vector.extract_strided_slice %concatenate3A {offsets = [2048, 0], sizes = [512, 8], strides = [1, 1]} : vector<4096x8xf32> to vector<512x8xf32>
    %convert_element_type3A_121 = arith.truncf %slice3A_120 : vector<512x8xf32> to vector<512x8xbf16>
    %dot_general3A_122 = arith.constant dense<0.000000e+00> : vector<512x8xf32>
    %dot_general3A_123 = tpu.matmul %convert_element_type3A_78, %convert_element_type3A_121, %dot_general3A_122 {dimension_numbers = #tpu.dot_dimension_numbers<[1], [0], [0], [1], [0, 0, 1, 1], [], []>, transpose_lhs_hint = false} : vector<512x512xbf16>, vector<512x8xbf16>, vector<512x8xf32> -> vector<512x8xf32>
    %add3A_124 = vector.broadcast %add3A_119 : vector<1x8xf32> to vector<512x8xf32>
    %add3A_125 = arith.addf %dot_general3A_123, %add3A_124 : vector<512x8xf32>
    %reduce_sum3A_126 = arith.constant dense<0.000000e+00> : vector<8xf32>
    %reduce_sum3A_127 = vector.multi_reduction <add>, %slice3A_120, %reduce_sum3A_126 [0] : vector<512x8xf32> to vector<8xf32>
    %broadcast_in_dim3A_128 = vector.shape_cast %reduce_sum3A_127 : vector<8xf32> to vector<1x8xf32>
    %add3A_129 = arith.addf %add3A_119, %broadcast_in_dim3A_128 : vector<1x8xf32>
    %slice3A_130 = vector.extract_strided_slice %concatenate3A {offsets = [2560, 0], sizes = [512, 8], strides = [1, 1]} : vector<4096x8xf32> to vector<512x8xf32>
    %convert_element_type3A_131 = arith.truncf %slice3A_130 : vector<512x8xf32> to vector<512x8xbf16>
    %dot_general3A_132 = arith.constant dense<0.000000e+00> : vector<512x8xf32>
    %dot_general3A_133 = tpu.matmul %convert_element_type3A_78, %convert_element_type3A_131, %dot_general3A_132 {dimension_numbers = #tpu.dot_dimension_numbers<[1], [0], [0], [1], [0, 0, 1, 1], [], []>, transpose_lhs_hint = false} : vector<512x512xbf16>, vector<512x8xbf16>, vector<512x8xf32> -> vector<512x8xf32>
    %add3A_134 = vector.broadcast %add3A_129 : vector<1x8xf32> to vector<512x8xf32>
    %add3A_135 = arith.addf %dot_general3A_133, %add3A_134 : vector<512x8xf32>
    %reduce_sum3A_136 = arith.constant dense<0.000000e+00> : vector<8xf32>
    %reduce_sum3A_137 = vector.multi_reduction <add>, %slice3A_130, %reduce_sum3A_136 [0] : vector<512x8xf32> to vector<8xf32>
    %broadcast_in_dim3A_138 = vector.shape_cast %reduce_sum3A_137 : vector<8xf32> to vector<1x8xf32>
    %add3A_139 = arith.addf %add3A_129, %broadcast_in_dim3A_138 : vector<1x8xf32>
    %slice3A_140 = vector.extract_strided_slice %concatenate3A {offsets = [3072, 0], sizes = [512, 8], strides = [1, 1]} : vector<4096x8xf32> to vector<512x8xf32>
    %convert_element_type3A_141 = arith.truncf %slice3A_140 : vector<512x8xf32> to vector<512x8xbf16>
    %dot_general3A_142 = arith.constant dense<0.000000e+00> : vector<512x8xf32>
    %dot_general3A_143 = tpu.matmul %convert_element_type3A_78, %convert_element_type3A_141, %dot_general3A_142 {dimension_numbers = #tpu.dot_dimension_numbers<[1], [0], [0], [1], [0, 0, 1, 1], [], []>, transpose_lhs_hint = false} : vector<512x512xbf16>, vector<512x8xbf16>, vector<512x8xf32> -> vector<512x8xf32>
    %add3A_144 = vector.broadcast %add3A_139 : vector<1x8xf32> to vector<512x8xf32>
    %add3A_145 = arith.addf %dot_general3A_143, %add3A_144 : vector<512x8xf32>
    %reduce_sum3A_146 = arith.constant dense<0.000000e+00> : vector<8xf32>
    %reduce_sum3A_147 = vector.multi_reduction <add>, %slice3A_140, %reduce_sum3A_146 [0] : vector<512x8xf32> to vector<8xf32>
    %broadcast_in_dim3A_148 = vector.shape_cast %reduce_sum3A_147 : vector<8xf32> to vector<1x8xf32>
    %add3A_149 = arith.addf %add3A_139, %broadcast_in_dim3A_148 : vector<1x8xf32>
    %slice3A_150 = vector.extract_strided_slice %concatenate3A {offsets = [3584, 0], sizes = [512, 8], strides = [1, 1]} : vector<4096x8xf32> to vector<512x8xf32>
    %convert_element_type3A_151 = arith.truncf %slice3A_150 : vector<512x8xf32> to vector<512x8xbf16>
    %dot_general3A_152 = arith.constant dense<0.000000e+00> : vector<512x8xf32>
    %dot_general3A_153 = tpu.matmul %convert_element_type3A_78, %convert_element_type3A_151, %dot_general3A_152 {dimension_numbers = #tpu.dot_dimension_numbers<[1], [0], [0], [1], [0, 0, 1, 1], [], []>, transpose_lhs_hint = false} : vector<512x512xbf16>, vector<512x8xbf16>, vector<512x8xf32> -> vector<512x8xf32>
    %add3A_154 = vector.broadcast %add3A_149 : vector<1x8xf32> to vector<512x8xf32>
    %add3A_155 = arith.addf %dot_general3A_153, %add3A_154 : vector<512x8xf32>
    %concatenate3A_156 = tpu.concatenate %add3A_85, %add3A_95, %add3A_105, %add3A_115, %add3A_125, %add3A_135, %add3A_145, %add3A_155 in 0 : vector<512x8xf32>, vector<512x8xf32>, vector<512x8xf32>, vector<512x8xf32>, vector<512x8xf32>, vector<512x8xf32>, vector<512x8xf32>, vector<512x8xf32> -> vector<4096x8xf32>
    %reduce_sum3A_157 = arith.constant dense<0.000000e+00> : vector<8xf32>
    %reduce_sum3A_158 = vector.multi_reduction <add>, %concatenate3A, %reduce_sum3A_157 [0] : vector<4096x8xf32> to vector<8xf32>
    %broadcast_in_dim3A_159 = vector.shape_cast %reduce_sum3A_158 : vector<8xf32> to vector<1x8xf32>
    %div3A_160 = arith.constant 7.680000e+02 : f32
    %div3A_161 = vector.broadcast %div3A_160 : f32 to vector<1x8xf32>
    %div3A_162 = arith.divf %broadcast_in_dim3A_159, %div3A_161 : vector<1x8xf32>
    %ceil3A = math.ceil %div3A_162 : vector<1x8xf32>
    %mul3A_163 = arith.constant 7.680000e+02 : f32
    %mul3A_164 = vector.broadcast %mul3A_163 : f32 to vector<1x8xf32>
    %mul3A_165 = arith.mulf %ceil3A, %mul3A_164 : vector<1x8xf32>
    %iota3A_166 = tpu.iota {dimensions = array<i32: 0>} : vector<8x8xi32>
    %iota3A_167 = tpu.iota {dimensions = array<i32: 1>} : vector<8x8xi32>
    %lt3A_168 = arith.cmpi slt, %iota3A_166, %iota3A_167 : vector<8x8xi32>
    %convert_element_type3A_169 = arith.extui %lt3A_168 : vector<8x8xi1> to vector<8x8xi32>
    %convert_element_type3A_170 = arith.sitofp %convert_element_type3A_169 : vector<8x8xi32> to vector<8x8xf32>
    %dot_general3A_171 = arith.constant dense<0.000000e+00> : vector<1x8xf32>
    %dot_general3A_172 = tpu.matmul %mul3A_165, %convert_element_type3A_170, %dot_general3A_171 {dimension_numbers = #tpu.dot_dimension_numbers<[1], [0], [0], [1], [0, 0, 1, 1], [], []>, transpose_lhs_hint = false} : vector<1x8xf32>, vector<8x8xf32>, vector<1x8xf32> -> vector<1x8xf32>
    %add3A_173 = vector.broadcast %dot_general3A_172 : vector<1x8xf32> to vector<4096x8xf32>
    %add3A_174 = arith.addf %concatenate3A_156, %add3A_173 : vector<4096x8xf32>
    %mul3A_175 = arith.mulf %concatenate3A, %add3A_174 : vector<4096x8xf32>
    %reduce_sum3A_176 = arith.constant dense<0.000000e+00> : vector<4096xf32>
    %reduce_sum3A_177 = vector.multi_reduction <add>, %mul3A_175, %reduce_sum3A_176 [1] : vector<4096x8xf32> to vector<4096xf32>
    %broadcast_in_dim3A_178 = vector.shape_cast %reduce_sum3A_177 : vector<4096xf32> to vector<4096x1xf32>
    %convert_element_type3A_179 = arith.fptosi %broadcast_in_dim3A_178 : vector<4096x1xf32> to vector<4096x1xi32>
    %slice3A_180 = vector.extract_strided_slice %convert_element_type3A_179 {offsets = [0, 0], sizes = [2048, 1], strides = [1, 1]} : vector<4096x1xi32> to vector<2048x1xi32>
    %swap3A_181 = arith.constant 0 : index
    %swap3A_182 = arith.constant 0 : index
    %swap3A_183 = vector.load %arg2[%swap3A_181, %swap3A_182] : memref<2048x1xi32, #tpu.memory_space<vmem>>, vector<2048x1xi32>
    tpu.vector_store %arg2[%swap3A_181, %swap3A_182], %slice3A_180 {strides = array<i32>} : memref<2048x1xi32, #tpu.memory_space<vmem>>, vector<2048x1xi32>,
    %slice3A_184 = vector.extract_strided_slice %convert_element_type3A_179 {offsets = [2048, 0], sizes = [2048, 1], strides = [1, 1]} : vector<4096x1xi32> to vector<2048x1xi32>
    %swap3A_185 = arith.constant 0 : index
    %swap3A_186 = arith.constant 0 : index
    %swap3A_187 = vector.load %arg3[%swap3A_185, %swap3A_186] : memref<2048x1xi32, #tpu.memory_space<vmem>>, vector<2048x1xi32>
    tpu.vector_store %arg3[%swap3A_185, %swap3A_186], %slice3A_184 {strides = array<i32>} : memref<2048x1xi32, #tpu.memory_space<vmem>>, vector<2048x1xi32>,
    %iota3A_188 = tpu.iota {dimensions = array<i32: 1>} : vector<1x14xi32>
    %mul3A_189 = arith.constant 768 : i32
    %mul3A_190 = vector.broadcast %mul3A_189 : i32 to vector<1x14xi32>
    %mul3A_191 = arith.muli %iota3A_188, %mul3A_190 : vector<1x14xi32>
    %convert_element_type3A_192 = arith.sitofp %mul3A_191 : vector<1x14xi32> to vector<1x14xf32>
    %reshape3A_193 = vector.shape_cast %dot_general3A_172 : vector<1x8xf32> to vector<8x1xf32>
    %broadcast_in_dim3A_194 = vector.shape_cast %reshape3A_193 : vector<8x1xf32> to vector<8x1xf32>
    %broadcast_in_dim3A_195 = vector.broadcast %broadcast_in_dim3A_194 : vector<8x1xf32> to vector<8x14xf32>
    %le3A = vector.broadcast %convert_element_type3A_192 : vector<1x14xf32> to vector<8x14xf32>
    %le3A_196 = arith.cmpf ole, %broadcast_in_dim3A_195, %le3A : vector<8x14xf32>
    %convert_element_type3A_197 = arith.extui %le3A_196 : vector<8x14xi1> to vector<8x14xi32>
    %convert_element_type3A_198 = arith.sitofp %convert_element_type3A_197 : vector<8x14xi32> to vector<8x14xf32>
    %reduce_sum3A_199 = arith.constant dense<0.000000e+00> : vector<14xf32>
    %reduce_sum3A_200 = vector.multi_reduction <add>, %convert_element_type3A_198, %reduce_sum3A_199 [0] : vector<8x14xf32> to vector<14xf32>
    %broadcast_in_dim3A_201 = vector.shape_cast %reduce_sum3A_200 : vector<14xf32> to vector<1x14xf32>
    %sub3A_202 = arith.constant 1.000000e+00 : f32
    %sub3A_203 = vector.broadcast %sub3A_202 : f32 to vector<1x14xf32>
    %sub3A_204 = arith.subf %broadcast_in_dim3A_201, %sub3A_203 : vector<1x14xf32>
    %add3A_205 = arith.addf %dot_general3A_172, %broadcast_in_dim3A_159 : vector<1x8xf32>
    %broadcast_in_dim3A_206 = vector.shape_cast %sub3A_204 : vector<1x14xf32> to vector<1x14xf32>
    %broadcast_in_dim3A_207 = vector.broadcast %broadcast_in_dim3A_206 : vector<1x14xf32> to vector<8x14xf32>
    %iota3A_208 = tpu.iota {dimensions = array<i32: 0>} : vector<8x14xi32>
    %convert_element_type3A_209 = arith.sitofp %iota3A_208 : vector<8x14xi32> to vector<8x14xf32>
    %eq3A_210 = arith.cmpf oeq, %broadcast_in_dim3A_207, %convert_element_type3A_209 : vector<8x14xf32>
    %reshape3A_211 = vector.shape_cast %add3A_205 : vector<1x8xf32> to vector<8x1xf32>
    %broadcast_in_dim3A_212 = vector.shape_cast %reshape3A_211 : vector<8x1xf32> to vector<8x1xf32>
    %broadcast_in_dim3A_213 = vector.broadcast %broadcast_in_dim3A_212 : vector<8x1xf32> to vector<8x14xf32>
    %jit3A_214 = arith.constant 0.000000e+00 : f32
    %broadcast_in_dim3A_215 = vector.broadcast %jit3A_214 : f32 to vector<8x14xf32>
    %select_n3A_216 = arith.select %eq3A_210, %broadcast_in_dim3A_213, %broadcast_in_dim3A_215 : vector<8x14xi1>, vector<8x14xf32>
    %reduce_sum3A_217 = arith.constant dense<0.000000e+00> : vector<14xf32>
    %reduce_sum3A_218 = vector.multi_reduction <add>, %select_n3A_216, %reduce_sum3A_217 [0] : vector<8x14xf32> to vector<14xf32>
    %broadcast_in_dim3A_219 = vector.shape_cast %reduce_sum3A_218 : vector<14xf32> to vector<1x14xf32>
    %convert_element_type3A_220 = arith.fptosi %sub3A_204 : vector<1x14xf32> to vector<1x14xi32>
    %swap3A_221 = arith.constant 0 : index
    %swap3A_222 = arith.constant 0 : index
    %swap3A_223 = vector.load %arg6[%swap3A_221, %swap3A_222] : memref<1x14xi32, #tpu.memory_space<vmem>>, vector<1x14xi32>
    tpu.vector_store %arg6[%swap3A_221, %swap3A_222], %convert_element_type3A_220 {strides = array<i32>} : memref<1x14xi32, #tpu.memory_space<vmem>>, vector<1x14xi32>,
    %convert_element_type3A_224 = arith.fptosi %broadcast_in_dim3A_219 : vector<1x14xf32> to vector<1x14xi32>
    %swap3A_225 = arith.constant 0 : index
    %swap3A_226 = arith.constant 0 : index
    %swap3A_227 = vector.load %arg7[%swap3A_225, %swap3A_226] : memref<1x14xi32, #tpu.memory_space<vmem>>, vector<1x14xi32>
    tpu.vector_store %arg7[%swap3A_225, %swap3A_226], %convert_element_type3A_224 {strides = array<i32>} : memref<1x14xi32, #tpu.memory_space<vmem>>, vector<1x14xi32>,
    return
  }
}

module attributes {stable_mosaic.version = 14 : i64} {
  func.func @_ffn_body(%arg0: i32, %arg1: memref<14xi32, #tpu.memory_space<smem>>, %arg2: memref<14xi32, #tpu.memory_space<smem>>, %arg3: memref<768x768xf32, #tpu.memory_space<vmem>>, %arg4: memref<768x128xf32, #tpu.memory_space<vmem>>, %arg5: memref<1x768x4096xf32, #tpu.memory_space<vmem>>, %arg6: memref<1x2048x768xf32, #tpu.memory_space<vmem>>, %arg7: memref<768x768xf32, #tpu.memory_space<vmem>>, %arg8: memref<768x4096xbf16, #tpu.memory_space<vmem>>, %arg9: memref<2048x768xbf16, #tpu.memory_space<vmem>>) attributes {dimension_semantics = [#tpu.dimension_semantics<arbitrary>], iteration_bounds = array<i64: 14>, scalar_prefetch = 2 : i64, scratch_operands = 2 : i64, tpu.core_type = #tpu.core_type<tc>, window_params = [{transform_indices = @transform_0, window_bounds = array<i64: 768, 768>}, {transform_indices = @transform_1, window_bounds = array<i64: 768, 128>}, {transform_indices = @transform_2, window_bounds = array<i64: 1, 768, 4096>}, {transform_indices = @transform_3, window_bounds = array<i64: 1, 2048, 768>}, {transform_indices = @transform_4, window_bounds = array<i64: 768, 768>}]} {
    %get3A = arith.index_cast %arg0 : i32 to index
    %get3A_0 = memref.load %arg1[%get3A] : memref<14xi32, #tpu.memory_space<smem>>
    %get3A_1 = arith.index_cast %arg0 : i32 to index
    %get3A_2 = memref.load %arg2[%get3A_1] : memref<14xi32, #tpu.memory_space<smem>>
    %eq3A = arith.constant 0 : i32
    %eq3A_3 = arith.cmpi eq, %arg0, %eq3A : i32
    %sub3A = arith.constant 1 : i32
    %sub3A_4 = arith.subi %arg0, %sub3A : i32
    %max3A = arith.constant 0 : i32
    %max3A_5 = arith.maxsi %sub3A_4, %max3A : i32
    %get3A_6 = arith.index_cast %max3A_5 : i32 to index
    %get3A_7 = memref.load %arg1[%get3A_6] : memref<14xi32, #tpu.memory_space<smem>>
    %jit3A = arith.constant -1 : i32
    %select_n3A = arith.select %eq3A_3, %jit3A, %get3A_7 : i32
    %ne3A = arith.cmpi ne, %get3A_0, %select_n3A : i32
    %convert_element_type3A = arith.extui %ne3A : i1 to i32
    %cond3A = arith.constant 0 : i32
    %cond3A_8 = arith.cmpi ne, %convert_element_type3A, %cond3A : i32
    scf.if %cond3A_8 {
      %get3A_17 = arith.constant 0 : index
      %get3A_18 = arith.constant 0 : index
      %get3A_19 = arith.constant 0 : index
      %get3A_20 = vector.load %arg5[%get3A_17, %get3A_18, %get3A_19] : memref<1x768x4096xf32, #tpu.memory_space<vmem>>, vector<1x768x4096xf32>
      %get3A_21 = vector.shape_cast %get3A_20 : vector<1x768x4096xf32> to vector<768x4096xf32>
      %convert_element_type3A_22 = arith.truncf %get3A_21 : vector<768x4096xf32> to vector<768x4096xbf16>
      %swap3A = arith.constant 0 : index
      %swap3A_23 = arith.constant 0 : index
      %swap3A_24 = vector.load %arg8[%swap3A, %swap3A_23] : memref<768x4096xbf16, #tpu.memory_space<vmem>>, vector<768x4096xbf16>
      tpu.vector_store %arg8[%swap3A, %swap3A_23], %convert_element_type3A_22 {strides = array<i32>} : memref<768x4096xbf16, #tpu.memory_space<vmem>>, vector<768x4096xbf16>,
      %get3A_25 = arith.constant 0 : index
      %get3A_26 = arith.constant 0 : index
      %get3A_27 = arith.constant 0 : index
      %get3A_28 = vector.load %arg6[%get3A_25, %get3A_26, %get3A_27] : memref<1x2048x768xf32, #tpu.memory_space<vmem>>, vector<1x2048x768xf32>
      %get3A_29 = vector.shape_cast %get3A_28 : vector<1x2048x768xf32> to vector<2048x768xf32>
      %convert_element_type3A_30 = arith.truncf %get3A_29 : vector<2048x768xf32> to vector<2048x768xbf16>
      %swap3A_31 = arith.constant 0 : index
      %swap3A_32 = arith.constant 0 : index
      %swap3A_33 = vector.load %arg9[%swap3A_31, %swap3A_32] : memref<2048x768xbf16, #tpu.memory_space<vmem>>, vector<2048x768xbf16>
      tpu.vector_store %arg9[%swap3A_31, %swap3A_32], %convert_element_type3A_30 {strides = array<i32>} : memref<2048x768xbf16, #tpu.memory_space<vmem>>, vector<2048x768xbf16>,
    } else {
    }
    %mul3A = arith.constant 768 : i32
    %mul3A_9 = arith.muli %arg0, %mul3A : i32
    %gt3A = arith.cmpi sgt, %get3A_2, %mul3A_9 : i32
    %convert_element_type3A_10 = arith.extui %gt3A : i1 to i32
    %cond3A_11 = arith.constant 0 : i32
    %cond3A_12 = arith.cmpi ne, %convert_element_type3A_10, %cond3A_11 : i32
    scf.if %cond3A_12 {
      %iota3A = tpu.iota {dimensions = array<i32: 0>} : vector<768x1xi32>
      %mul3A_17 = arith.constant 768 : i32
      %mul3A_18 = arith.muli %arg0, %mul3A_17 : i32
      %add3A = vector.broadcast %mul3A_18 : i32 to vector<768x1xi32>
      %add3A_19 = arith.addi %iota3A, %add3A : vector<768x1xi32>
      %lt3A = vector.broadcast %get3A_2 : i32 to vector<768x1xi32>
      %lt3A_20 = arith.cmpi slt, %add3A_19, %lt3A : vector<768x1xi32>
      %get3A_21 = arith.constant 0 : index
      %get3A_22 = arith.constant 0 : index
      %get3A_23 = vector.load %arg3[%get3A_21, %get3A_22] : memref<768x768xf32, #tpu.memory_space<vmem>>, vector<768x768xf32>
      %jit3A_24 = arith.constant 0.000000e+00 : f32
      %broadcast_in_dim3A = vector.shape_cast %lt3A_20 : vector<768x1xi1> to vector<768x1xi1>
      %broadcast_in_dim3A_25 = vector.broadcast %broadcast_in_dim3A : vector<768x1xi1> to vector<768x768xi1>
      %broadcast_in_dim3A_26 = vector.broadcast %jit3A_24 : f32 to vector<768x768xf32>
      %select_n3A_27 = arith.select %broadcast_in_dim3A_25, %get3A_23, %broadcast_in_dim3A_26 : vector<768x768xi1>, vector<768x768xf32>
      %convert_element_type3A_28 = arith.truncf %select_n3A_27 : vector<768x768xf32> to vector<768x768xbf16>
      %get3A_29 = arith.constant 0 : index
      %get3A_30 = arith.constant 0 : index
      %get3A_31 = vector.load %arg8[%get3A_29, %get3A_30] : memref<768x4096xbf16, #tpu.memory_space<vmem>>, vector<768x4096xbf16>
      %dot_general3A = arith.constant dense<0.000000e+00> : vector<768x4096xf32>
      %dot_general3A_32 = tpu.matmul %convert_element_type3A_28, %get3A_31, %dot_general3A {dimension_numbers = #tpu.dot_dimension_numbers<[1], [0], [0], [1], [0, 0, 1, 1], [], []>, transpose_lhs_hint = false} : vector<768x768xbf16>, vector<768x4096xbf16>, vector<768x4096xf32> -> vector<768x4096xf32>
      %slice3A = vector.extract_strided_slice %dot_general3A_32 {offsets = [0, 0], sizes = [768, 2048], strides = [1, 1]} : vector<768x4096xf32> to vector<768x2048xf32>
      %slice3A_33 = vector.extract_strided_slice %dot_general3A_32 {offsets = [0, 2048], sizes = [768, 2048], strides = [1, 1]} : vector<768x4096xf32> to vector<768x2048xf32>
      %logistic3A = arith.negf %slice3A : vector<768x2048xf32>
      %logistic3A_34 = math.exp %logistic3A : vector<768x2048xf32>
      %logistic3A_35 = arith.constant 1.000000e+00 : f32
      %logistic3A_36 = vector.broadcast %logistic3A_35 : f32 to vector<768x2048xf32>
      %logistic3A_37 = arith.addf %logistic3A_36, %logistic3A_34 : vector<768x2048xf32>
      %logistic3A_38 = arith.divf %logistic3A_36, %logistic3A_37 : vector<768x2048xf32>
      %mul3A_39 = arith.mulf %slice3A, %logistic3A_38 : vector<768x2048xf32>
      %mul3A_40 = arith.mulf %mul3A_39, %slice3A_33 : vector<768x2048xf32>
      %convert_element_type3A_41 = arith.truncf %mul3A_40 : vector<768x2048xf32> to vector<768x2048xbf16>
      %get3A_42 = arith.constant 0 : index
      %get3A_43 = arith.constant 0 : index
      %get3A_44 = vector.load %arg9[%get3A_42, %get3A_43] : memref<2048x768xbf16, #tpu.memory_space<vmem>>, vector<2048x768xbf16>
      %dot_general3A_45 = arith.constant dense<0.000000e+00> : vector<768x768xf32>
      %dot_general3A_46 = tpu.matmul %convert_element_type3A_41, %get3A_44, %dot_general3A_45 {dimension_numbers = #tpu.dot_dimension_numbers<[1], [0], [0], [1], [0, 0, 1, 1], [], []>, transpose_lhs_hint = false} : vector<768x2048xbf16>, vector<2048x768xbf16>, vector<768x768xf32> -> vector<768x768xf32>
      %get3A_47 = arith.constant 0 : index
      %get3A_48 = arith.constant 0 : index
      %get3A_49 = vector.load %arg4[%get3A_47, %get3A_48] : memref<768x128xf32, #tpu.memory_space<vmem>>, vector<768x1xf32>
      %jit3A_50 = arith.constant 0.000000e+00 : f32
      %broadcast_in_dim3A_51 = vector.broadcast %jit3A_50 : f32 to vector<768x1xf32>
      %select_n3A_52 = arith.select %lt3A_20, %get3A_49, %broadcast_in_dim3A_51 : vector<768x1xi1>, vector<768x1xf32>
      %mul3A_53 = vector.broadcast %select_n3A_52 : vector<768x1xf32> to vector<768x768xf32>
      %mul3A_54 = arith.mulf %dot_general3A_46, %mul3A_53 : vector<768x768xf32>
      %swap3A = arith.constant 0 : index
      %swap3A_55 = arith.constant 0 : index
      %swap3A_56 = vector.load %arg7[%swap3A, %swap3A_55] : memref<768x768xf32, #tpu.memory_space<vmem>>, vector<768x768xf32>
      tpu.vector_store %arg7[%swap3A, %swap3A_55], %mul3A_54 {strides = array<i32>} : memref<768x768xf32, #tpu.memory_space<vmem>>, vector<768x768xf32>,
    } else {
    }
    %not3A = arith.constant true
    %not3A_13 = arith.xori %gt3A, %not3A : i1
    %convert_element_type3A_14 = arith.extui %not3A_13 : i1 to i32
    %cond3A_15 = arith.constant 0 : i32
    %cond3A_16 = arith.cmpi ne, %convert_element_type3A_14, %cond3A_15 : i32
    scf.if %cond3A_16 {
      %broadcast_in_dim3A = arith.constant 0.000000e+00 : f32
      %broadcast_in_dim3A_17 = vector.broadcast %broadcast_in_dim3A : f32 to vector<768x768xf32>
      %swap3A = arith.constant 0 : index
      %swap3A_18 = arith.constant 0 : index
      %swap3A_19 = vector.load %arg7[%swap3A, %swap3A_18] : memref<768x768xf32, #tpu.memory_space<vmem>>, vector<768x768xf32>
      tpu.vector_store %arg7[%swap3A, %swap3A_18], %broadcast_in_dim3A_17 {strides = array<i32>} : memref<768x768xf32, #tpu.memory_space<vmem>>, vector<768x768xf32>,
    } else {
    }
    return
  }
  func.func @transform_0(%arg0: i32, %arg1: memref<14xi32, #tpu.memory_space<smem>>, %arg2: memref<14xi32, #tpu.memory_space<smem>>) -> (i32, i32) {
    %c0_i32 = arith.constant 0 : i32
    %c0_i32_0 = arith.constant 0 : i32
    return %arg0, %c0_i32 : i32, i32
  }
  func.func @transform_1(%arg0: i32, %arg1: memref<14xi32, #tpu.memory_space<smem>>, %arg2: memref<14xi32, #tpu.memory_space<smem>>) -> (i32, i32) {
    %c0_i32 = arith.constant 0 : i32
    %c0_i32_0 = arith.constant 0 : i32
    return %arg0, %c0_i32 : i32, i32
  }
  func.func @transform_2(%arg0: i32, %arg1: memref<14xi32, #tpu.memory_space<smem>>, %arg2: memref<14xi32, #tpu.memory_space<smem>>) -> (i32, i32, i32) {
    %get3A = arith.index_cast %arg0 : i32 to index
    %get3A_0 = memref.load %arg1[%get3A] : memref<14xi32, #tpu.memory_space<smem>>
    %c0_i32 = arith.constant 0 : i32
    %c0_i32_1 = arith.constant 0 : i32
    %c0_i32_2 = arith.constant 0 : i32
    return %get3A_0, %c0_i32, %c0_i32_1 : i32, i32, i32
  }
  func.func @transform_3(%arg0: i32, %arg1: memref<14xi32, #tpu.memory_space<smem>>, %arg2: memref<14xi32, #tpu.memory_space<smem>>) -> (i32, i32, i32) {
    %get3A = arith.index_cast %arg0 : i32 to index
    %get3A_0 = memref.load %arg1[%get3A] : memref<14xi32, #tpu.memory_space<smem>>
    %c0_i32 = arith.constant 0 : i32
    %c0_i32_1 = arith.constant 0 : i32
    %c0_i32_2 = arith.constant 0 : i32
    return %get3A_0, %c0_i32, %c0_i32_1 : i32, i32, i32
  }
  func.func @transform_4(%arg0: i32, %arg1: memref<14xi32, #tpu.memory_space<smem>>, %arg2: memref<14xi32, #tpu.memory_space<smem>>) -> (i32, i32) {
    %c0_i32 = arith.constant 0 : i32
    %c0_i32_0 = arith.constant 0 : i32
    return %arg0, %c0_i32 : i32, i32
  }
}

</mosaic_0001>

<sc_bundles>
// kernel: kernel.6.cloned.1.call-start
scs
__scs_entry_jumppad:
0x0: {  	(pc) =	sbr.rel $0x88, $3  }
0x1: {  	(tag) =	ssettag $0x0;
	lr =	simm.s32 $0x1  }
0x2: {  	[smem:$0x3F9D] =	sst lr;
	_ =	strace $0xD0000000  }
0x3: {  	_ = 	snop  }
0x4: {  	_ = 	snop  }
0x5: {  	_ = 	snop  }
0x6: {  	_ = 	snop  }
0x7: {  	_ = 	snop  }
__scs_overlays_trampoline_lowered:
0x8: {  	[smem:$0x3FAC] =	sst s0  }
0x9: {  	[smem:$0x3FAD] =	sst s1  }
0xa: {  	[smem:$0x3FAE] =	sst s2  }
0xb: {  	[smem:$0x3FAF] =	sst s3  }
0xc: {  	[smem:$0x3FB0] =	sst s4  }
0xd: {  	[smem:$0x3FB1] =	sst s5  }
0xe: {  	[smem:$0x3FB2] =	sst s6  }
0xf: {  	[smem:$0x3FB3] =	sst s7  }
0x10: {  	[smem:$0x3FB4] =	sst s8  }
0x11: {  	[smem:$0x3FB5] =	sst s9;
	s0 =	simm.s32 @!p0 $0x0  }
0x12: {  	s1 =	sld [smem:$0x3F9B];
	s0 =	simm.s32 @p0 $0x1  }
0x13: {  	[smem:$0x3FB6] =	sst s0;
	s0 =	simm.s32 @!p1 $0x0  }
0x14: {  	s2 =	sld [smem:$0x3F9A];
	s0 =	simm.s32 @p1 $0x1  }
0x15: {  	[smem:$0x3FB7] =	sst s0;
	s0 =	simm.s32 @!p2 $0x0  }
0x16: {  	s3 =	sld [smem:$0x3FDB];
	s0 =	simm.s32 @p2 $0x1  }
0x17: {  	s4 =	simm.s32 $0x1BF5;
	[smem:$0x3FB9] =	sst s0  }
0x18: {  	s0 =	sld [smem:$0x3F9C];
	_ =	swait.ge [sflag:s4], $0x0  }
0x19: {  	s7 =	sld [smem:$0x3F9D]  }
0x1a: {  	s8 =	sadd.s32 $0xFFFFE003, lr  }
0x1b: {  	s9 =	sadd.s32 $0xFFFFFEF7, lr;
	s5 =	simm.s32 $0xFFFFFFFF;
	p2 =	slt.u32 s8, $0xFFFFF086  }
0x1c: {  	p1 =	slt.u32 s9, $0xF7A;
	s5 =	simm.s32 @!p2 $0x0  }
0x1d: {  	s5 =	simm.s32 @p1 $0x1;
	p0 =	seq.s32 s7, s2  }
0x1e: {  	s7 =	smul.u32 @!p0 $0xF7A, s2;
	p2 =	seq.s32 @!p0 s5, $0x0  }
0x1f: {  	s9 =	smul.u32 $0xF7A, s1;
	s8 =	simm.s32 @!p0 $0x1BF5;
	p2 =	por !p2, p0  }
0x20: {  	[sflag:s8] =	ssyncset.s32 @!p0 $0xFFFFF086;
	s6 =	sadd.s32 @!p0 s3, s7;
	s7 =	simm.s32 @!p0 $0x108  }
0x21: {  	s3 =	sadd.s32 s3, s9;
	s6 =	sadd.s32 @!p0 $0x88, s6;
	s7 =	simm.s32 @p2 $0x1082  }
0x22: {  	[simem:s7], [sflag:s8] =	dma.local @!p0 [hbm:s6], $0xF7A  }
0x23: {  	s9 =	sor.u32 $0xD0000000, s2;
	s6 =	simm.s32 $0x108;
	_ =	swait.ge @!p0 [sflag:s8], $0x0  }
0x24: {  	s3 =	sadd.s32 $0x88, s3;
	s6 =	simm.s32 @!p1 $0x1082;
	[sflag:s4] =	ssyncset.s32 $0xFFFFF086  }
0x25: {  	[simem:s6], [sflag:s4] =	dma.local [hbm:s3], $0xF7A  }
0x26: {  	[smem:$0x3F9D] =	sst s1;
	(tag) =	ssettag s2;
	_ =	strace s9  }
0x27: {  	s1 =	sld [smem:$0x3FAD]  }
0x28: {  	s2 =	sld [smem:$0x3FAE]  }
0x29: {  	s4 =	sld [smem:$0x3FB0]  }
0x2a: {  	p0 =	seq.s32 s5, $0x0;
	s5 =	sld [smem:$0x3FB1]  }
0x2b: {  	s6 =	sld [smem:$0x3FB2]  }
0x2c: {  	s7 =	sld [smem:$0x3FB3]  }
0x2d: {  	s3 =	simm.s32 $0x108;
	s8 =	sld [smem:$0x3FB4]  }
0x2e: {  	s3 =	simm.s32 @!p0 $0x1082;
	s9 =	sld [smem:$0x3FB5]  }
0x2f: {  	lr =	sadd.s32 s0, s3;
	s0 =	sld [smem:$0x3FAC]  }
0x30: {  	s3 =	sld [smem:$0x3FAF]  }
0x31: {  	[smem:$0x3FB8] =	sst s10  }
0x32: {  	s10 =	sld [smem:$0x3FB6];
	_ =	sdelay $0x3  }
0x33: {  	p0 =	seq.s32 s10, $0x1;
	s10 =	sld [smem:$0x3FB8];
	_ =	sdelay $0x3  }
0x34: {  	[smem:$0x3FB8] =	sst s10  }
0x35: {  	s10 =	sld [smem:$0x3FB7];
	_ =	sdelay $0x3  }
0x36: {  	p1 =	seq.s32 s10, $0x1;
	s10 =	sld [smem:$0x3FB8];
	_ =	sdelay $0x3  }
0x37: {  	[smem:$0x3FB8] =	sst s10  }
0x38: {  	s10 =	sld [smem:$0x3FB9]  }
0x39: {  	_ = 	snop;
	(pc) =	sbr.ind lr, $3  }
0x3a: {  	_ = 	snop  }
0x3b: {  	_ = 	snop  }
0x3c: {  	p2 =	seq.s32 s10, $0x1;
	s10 =	sld [smem:$0x3FB8]  }
0x3d: {  	_ =	shalt  }
0x3e: {  	_ =	shalt  }
0x3f: {  	_ =	shalt  }
0x40: {  	_ =	shalt  }
0x41: {  	_ =	shalt  }
0x42: {  	_ =	shalt  }
0x43: {  	_ =	shalt  }
0x44: {  	_ =	shalt  }
0x45: {  	_ =	shalt  }
0x46: {  	_ =	shalt  }
0x47: {  	_ =	shalt  }
0x48: {  	_ =	shalt  }
0x49: {  	_ =	shalt  }
0x4a: {  	_ =	shalt  }
0x4b: {  	_ =	shalt  }
0x4c: {  	_ =	shalt  }
0x4d: {  	_ =	shalt  }
0x4e: {  	_ =	shalt  }
0x4f: {  	_ =	shalt  }
0x50: {  	_ =	shalt  }
0x51: {  	_ =	shalt  }
0x52: {  	_ =	shalt  }
0x53: {  	_ =	shalt  }
0x54: {  	_ =	shalt  }
0x55: {  	_ =	shalt  }
0x56: {  	_ =	shalt  }
0x57: {  	_ =	shalt  }
0x58: {  	_ =	shalt  }
0x59: {  	_ =	shalt  }
0x5a: {  	_ =	shalt  }
0x5b: {  	_ =	shalt  }
0x5c: {  	_ =	shalt  }
0x5d: {  	_ =	shalt  }
0x5e: {  	_ =	shalt  }
0x5f: {  	_ =	shalt  }
0x60: {  	_ =	shalt  }
0x61: {  	_ =	shalt  }
0x62: {  	_ =	shalt  }
0x63: {  	_ =	shalt  }
0x64: {  	_ =	shalt  }
0x65: {  	_ =	shalt  }
0x66: {  	_ =	shalt  }
0x67: {  	_ =	shalt  }
0x68: {  	_ =	shalt  }
0x69: {  	_ =	shalt  }
0x6a: {  	_ =	shalt  }
0x6b: {  	_ =	shalt  }
0x6c: {  	_ =	shalt  }
0x6d: {  	_ =	shalt  }
0x6e: {  	_ =	shalt  }
0x6f: {  	_ =	shalt  }
0x70: {  	_ =	shalt  }
0x71: {  	_ =	shalt  }
0x72: {  	_ =	shalt  }
0x73: {  	_ =	shalt  }
0x74: {  	_ =	shalt  }
0x75: {  	_ =	shalt  }
0x76: {  	_ =	shalt  }
0x77: {  	_ =	shalt  }
0x78: {  	_ =	shalt  }
0x79: {  	_ =	shalt  }
0x7a: {  	_ =	shalt  }
0x7b: {  	_ =	shalt  }
0x7c: {  	_ =	shalt  }
0x7d: {  	_ =	shalt  }
0x7e: {  	_ =	shalt  }
0x7f: {  	_ =	shalt  }
0x80: {  	_ =	shalt  }
0x81: {  	_ =	shalt  }
0x82: {  	_ =	shalt  }
0x83: {  	_ =	shalt  }
0x84: {  	_ =	shalt  }
0x85: {  	_ =	shalt  }
0x86: {  	_ =	shalt  }
0x87: {  	_ =	shalt  }
.Lfunc_end0:
.L_simem_size_0:
called_computation_lowered:
.L_overlay_start_0:
0x88: {  	s2 =	sld [smem:$0x3FD9]  }
0x89: {  	s3 =	sld [smem:$0x3FFE];
	_ =	sdelay $0x1  }
0x8a: {  	s1 =	srdreg.scid  }
0x8b: {  	s0 =	sand.u32 $0x1, s1  }
0x8c: {  	s14 =	sshll.u32 s0, $0xA;
	s2 =	sadd.s32 s3, s2  }
0x8d: {  	s2 =	sadd.s32 s2, s14  }
0x8e: {  	[smem:$0x3FC4] =	sst s2  }
0x8f: {  	_ = 	snop  }
0x90: {  	s2 =	sld [smem:$0x3FD0];
	_ =	sdelay $0x2  }
0x91: {  	s4 =	simm.s32 $0xA;
	s5 =	simm.s32 $0x10;
	s15 =	sld [smem:$0x3FC9]  }
0x92: {  	[smem:s5], [sflag:s4] =	dma.local [hbm:s2], $0x1  }
0x93: {  	_ =	swait.eq [sflag:s4], $0x1  }
0x94: {  	[sflag:s4] =	ssyncset.done $0x0  }
0x95: {  	[sflag:s4] =	ssyncadd.s32 $0xFFFFFFFF  }
0x96: {  	s16 =	sld [smem:$0x10];
	(tm) =	ssettm $0x1  }
0x97: {  	s17 =	sld [smem:$0x3FFB];
	_ =	sdelay $0x3  }
0x98: {  	_ =	strace s17  }
0x99: {  	s4 =	sld [smem:$0x3FFC];
	_ =	sdelay $0x3  }
0x9a: {  	_ =	strace s4  }
0x9b: {  	s4 =	sld [smem:$0x3FFD];
	_ =	sdelay $0x3  }
0x9c: {  	_ =	strace s4  }
0x9d: {  	_ =	strace $0x8FFFFFFF  }
0x9e: {  	s18 =	sld [smem:$0x3FDB];
	_ =	sdelay $0x1  }
0x9f: {  	s19 =	simm.s32 $_scs_section_size  }
0xa0: {  	s6 =	simm.s32 $_size__tile_overlayer_lowered;
	s7 =	simm.s32 $_tile_overlayer_lowered  }
0xa1: {  	s22 =	simm.s32 $0x1BFF;
	s21 =	sshll.u32 s7, $0x1;
	s4 =	sadd.s32 s19, s18  }
0xa2: {  	s8 =	simm.s32 $0x0;
	s20 =	sshll.u32 s6, $0x1;
	s6 =	sadd.s32 s21, s4  }
0xa3: {  	[timem:s8], [sflag:s22] =	dma.local [hbm:s6], s20  }
0xa4: {  	_ =	swait.ge [sflag:s22], s20  }
0xa5: {  	s5 =	ssub.s32 $0x0, s20;
	[sflag:s22] =	ssyncset.done $0x0  }
0xa6: {  	[sflag:s22] =	ssyncadd.s32 s5;
	_ =	sdelay $0x1  }
0xa7: {  	s23 =	simm.s32 $0x1B8B  }
0xa8: {  	_ =	swait.ge [sflag:s23], $0x1  }
0xa9: {  	[sflag:s23] =	ssyncset.done $0x0  }
0xaa: {  	s25 =	simm.s32 $0x1B8E;
	s24 =	sld [smem:$0x3FFE];
	[sflag:s23] =	ssyncadd.s32 $0xFFFFFFFF  }
0xab: {  	s26 =	simm.s32 $execute0_lowered;
	[smem:$0x3FD2] =	sst s25  }
0xac: {  	s6 =	sshll.u32 s26, $0x1;
	_ =	strace $0x80000046;
	[dreg:$0x1] =	wrdreg $0xFFFFFFFF  }
0xad: {  	s28 =	simm.s32 $_size_execute0_lowered;
	s4 =	sadd.s32 s4, s6;
	[dreg:$0x0] =	wrdreg $0x0  }
0xae: {  	s6 =	sshll.u32 s28, $0x1;
	[dreg:$0x2] =	wrdreg s4  }
0xaf: {  	[dreg:$0x3] =	wrdreg s6  }
0xb0: {  	[dreg:$0x4] =	wrdreg $0xC0  }
0xb1: {  	_ =	task [dreg:s8], $0x5FFFF  }
0xb2: {  	[dreg:$0x1] =	wrdreg $0xFFFFFFFF  }
0xb3: {  	[dreg:$0x0] =	wrdreg $0x60  }
0xb4: {  	[dreg:$0x2] =	wrdreg s15  }
0xb5: {  	[dreg:$0x3] =	wrdreg s24  }
0xb6: {  	[dreg:$0x4] =	wrdreg s16  }
0xb7: {  	[dreg:$0x5] =	wrdreg $0x9  }
0xb8: {  	_ =	task.clear_ibuf [dreg:s8], $0x6FFFF;
	_ =	strace $0x90000046  }
0xb9: {  	s29 =	simm.s32 $0x9;
	_ =	strace $0x80000048  }
0xba: {  	_ =	swait.ge [sflag:s29], $0x1  }
0xbb: {  	[sflag:s29] =	ssyncadd.s32 $0xFFFFFFFF  }
0xbc: {  	_ =	strace $0x90000048  }
0xbd: {  	_ =	sfence  }
0xbe: {  	s30 =	sld [smem:$0x0];
	_ =	sdelay $0x2  }
0xbf: {  	s31 =	sshll.u32 s1, $0xD;
	s1 =	sshrl.u32 s1, $0x2  }
0xc0: {  	s3 =	sand.u32 $0x4000, s31;
	s1 =	sadd.s32 s1, s30  }
0xc1: {  	s0 =	sor.u32 s3, s0;
	s1 =	sshll.u32 s1, $0x11  }
0xc2: {  	s0 =	sor.u32 s1, s0  }
0xc3: {  	s0 =	sadd.s32 $0x8F2B, s0  }
0xc4: {  	[sflag:s0] =	ssyncadd.remote.s32 $0x1  }
0xc5: {  	_ =	sfence.sel $0xFFFF  }
0xc6: {  	[dreg:$0x0] =	wrdreg $0xFFFFFFFF;
	(pc) =	sbr.abs _section_cstart, $3  }
0xc7: {  	[dreg:$0x1] =	wrdreg $0xFFFFFFFF  }
0xc8: {  	_ =	task.clear_ibuf [dreg:s8], $0x2FFFF;
	_ =	strace $0x9FFFFFFF  }
0xc9: {  	(tm) =	ssettm $0x7FFFFFFF  }
tec
execute0_lowered:
.L_overlay_start_1:
0x0: {  	(tag) =	ssettag $0x1  }
0x1: {  	s0 =	srdreg.scid;
	s1 =	rddreg [dreg:$0x0]  }
0x2: {  	s3 =	stileid.u32;
	s2 =	rddreg [dreg:$0x1]  }
0x3: {  	s8 =	simm.s32 $0x2;
	s13 =	simm.s32 $0x1;
	s18 =	simm.s32 $0x1100  }
0x4: {  	s19 =	simm.s32 $0x1900;
	s20 =	simm.s32 $0x2100;
	s21 =	simm.s32 $0x2900  }
0x5: {  	s22 =	simm.s32 $0x3100;
	s23 =	simm.s32 $0x3900;
	s28 =	simm.s32 $0x5900  }
0x6: {  	s29 =	simm.s32 $0x6100;
	s30 =	simm.s32 $0x6900;
	s31 =	simm.s32 $0x7100  }
0x7: {  	s15 =	simm.s32 $0x8100;
	s9 =	simm.s32 $0x9100;
	s11 =	simm.s32 $0x9900  }
0x8: {  	s12 =	simm.s32 $0xA100;
	s10 =	simm.s32 $0xA900;
	s0 =	sand.u32 $0x1, s0  }
0x9: {  	s16 =	simm.s32 $0xB100;
	s3 =	sshll.u32 s3, $0x7;
	s4 =	sshll.u32 s0, $0x6  }
0xa: {  	s17 =	simm.s32 $0xB900;
	s0 =	ssub.s32 $0x2, s0;
	s4 =	sor.u32 s4, s3  }
0xb: {  	s3 =	simm.s32 $0x0;
	s25 =	sshrl.u32 s0, $0x1;
	s5 =	sshrl.u32 s4, $0x3  }
0xc: {  	[smem:$0x7FF] =	sst s3;
	s4 =	sshll.u32 s4, $0x4;
	s6 =	sadd.s32 s5, s2  }
0xd: {  	s0 =	ssub.s32 s0, s25;
	_ =	strace $0x80000047;
	s7 =	sadd.s32 $0x18800, s6  }
0xe: {  	s4 =	sadd.s32 s4, s2;
	s6 =	sadd.s32 $0x18A00, s6;
	[dreg:$0x4] =	wrdreg s7  }
0xf: {  	s5 =	smul.u32 $0x300, s5;
	s24 =	sadd.s32 $0x8400, s4;
	[dreg:$0x5] =	wrdreg s6  }
0x10: {  	s25 =	simm.s32 $0x4900;
	s26 =	sadd.s32 $0x10400, s4;
	[dreg:$0x7] =	wrdreg s24  }
0x11: {  	v2 =	vlaneseq.u32;
	s4 =	sadd.s32 $0x18C00, s2;
	s1 =	sadd.s32 s1, s5;
	[dreg:$0x8] =	wrdreg s26  }
0x12: {  	vm0 =	vmmov $0xffff;
	v1 =	vshrl.u32 v2, $0x3;
	s5 =	sadd.s32 $0x18D00, s2;
	s6 =	sadd.s32 $0x18E00, s2;
	s7 =	smax.u32 s0, $0x1  }
0x13: {  	v0 =	vand.u32 $0x7, v2;
	v2 =	vor.u32 $0x8, v2;
	v1 =	vmul.u32 $0x8, v1;
	s24 =	simm.s32 $0x4100;
	s26 =	simm.s32 $0x5100;
	[dreg:$0x6] =	wrdreg s1  }
.LBB2_1:
0x14: {  	s14 =	rddreg [dreg:$0x4]  }
0x15: {  	[tilespmem:s3], [sflag:$0x2] =	stream.linear.gather [hbm4b:s14+s3], $0x40, $0x38;
	[tilespmem:$0x10100] =	vst v63  }
0x16: {  	_ =	swait.ge [sflag:s8], $0x40  }
0x17: {  	[sflag:s8] =	ssyncset.done $0x0  }
0x18: {  	s0 =	simm.s32 $0x80;
	s2 =	rddreg [dreg:$0x5];
	[sflag:s8] =	ssyncadd.s32 $0xFFFFFFC0  }
0x19: {  	[tilespmem:s0], [sflag:$0x2] =	stream.linear.gather [hbm4b:s2+s3], $0x40, $0x38;
	[tilespmem:$0x10100] =	vst v63  }
0x1a: {  	_ =	swait.ge [sflag:s8], $0x40  }
0x1b: {  	[sflag:s8] =	ssyncset.done $0x0  }
0x1c: {  	s0 =	simm.s32 $0x100;
	s1 =	rddreg [dreg:$0x6];
	[sflag:s8] =	ssyncadd.s32 $0xFFFFFFC0  }
0x1d: {  	[tilespmem:s0], [sflag:$0x2] =	stream.linear.gather [hbm4b:s1+s3], $0xC000, $0x38;
	[tilespmem:$0x10100] =	vst v63  }
0x1e: {  	_ =	swait.ge [sflag:s8], $0xC000  }
0x1f: {  	[sflag:s8] =	ssyncset.done $0x0  }
0x20: {  	s1 =	simm.s32 $0xC100;
	s2 =	rddreg [dreg:$0x7];
	[sflag:s8] =	ssyncadd.s32 $0xFFFF4000  }
0x21: {  	[tilespmem:s1], [sflag:$0x2] =	stream.linear.gather [hbm4b:s2+s3], $0x2000, $0x38;
	[tilespmem:$0x10100] =	vst v63  }
0x22: {  	_ =	swait.ge [sflag:s8], $0x2000  }
0x23: {  	[sflag:s8] =	ssyncset.done $0x0  }
0x24: {  	s2 =	simm.s32 $0xE100;
	s1 =	rddreg [dreg:$0x8];
	[sflag:s8] =	ssyncadd.s32 $0xFFFFE000  }
0x25: {  	[tilespmem:s2], [sflag:$0x2] =	stream.linear.gather [hbm4b:s1+s3], $0x2000, $0x38;
	[tilespmem:$0x10100] =	vst v63  }
0x26: {  	_ =	swait.ge [sflag:s8], $0x2000  }
0x27: {  	[sflag:s8] =	ssyncset.done $0x0  }
0x28: {  	[sflag:s8] =	ssyncadd.s32 $0xFFFFE000  }
0x29: {  	v3 =	vld [tilespmem:$0x0];
	_ =	sdelay $0x4  }
0x2a: {  	v4 =	vshrl.u32 v3, $0x3  }
0x2b: {  	v4 =	vmul.u32 $0x30, v4  }
0x2c: {  	v3 =	vand.u32 $0x7, v3  }
0x2d: {  	v3 =	vor.u32 v3, v4  }
0x2e: {  	v4 =	vperm.xlane v3, v0;
	_ =	sdelay $0x1  }
0x2f: {  	v4 =	vadd.s32 v1, v4;
	_ =	sdelay $0x3  }
0x30: {  	v3 =	vperm.xlane v3, v2  }
0x31: {  	[hbm4b:s4+s3] =	stream.indirect_vreg.scatter [tilespmem:s0], [sflag:$0x1], $0x80, v4, vm0, $0xb8;
	[tilespmem:$0x10100] =	vst v63  }
0x32: {  	s14 =	simm.s32 $0x900;
	v3 =	vadd.s32 v1, v3  }
0x33: {  	[hbm4b:s5+s3] =	stream.indirect_vreg.scatter [tilespmem:s14], [sflag:$0x1], $0x80, v4, vm0, $0xb8;
	[tilespmem:$0x10100] =	vst v63  }
0x34: {  	_ = 	snop  }
0x35: {  	[hbm4b:s6+s3] =	stream.indirect_vreg.scatter [tilespmem:s18], [sflag:$0x1], $0x80, v4, vm0, $0xb8;
	[tilespmem:$0x10100] =	vst v63  }
0x36: {  	_ = 	snop  }
0x37: {  	[hbm4b:s4+s3] =	stream.indirect_vreg.scatter [tilespmem:s19], [sflag:$0x1], $0x80, v3, vm0, $0xb8;
	[tilespmem:$0x10100] =	vst v63  }
0x38: {  	_ = 	snop  }
0x39: {  	[hbm4b:s5+s3] =	stream.indirect_vreg.scatter [tilespmem:s20], [sflag:$0x1], $0x80, v3, vm0, $0xb8;
	[tilespmem:$0x10100] =	vst v63  }
0x3a: {  	_ = 	snop  }
0x3b: {  	[hbm4b:s6+s3] =	stream.indirect_vreg.scatter [tilespmem:s21], [sflag:$0x1], $0x80, v3, vm0, $0xb8;
	[tilespmem:$0x10100] =	vst v63  }
0x3c: {  	v3 =	vld [tilespmem:$0x10];
	_ =	sdelay $0x4  }
0x3d: {  	v57 =	vshrl.u32 v3, $0x3  }
0x3e: {  	v4 =	vmul.u32 $0x30, v57  }
0x3f: {  	v3 =	vand.u32 $0x7, v3  }
0x40: {  	v3 =	vor.u32 v3, v4  }
0x41: {  	v4 =	vperm.xlane v3, v0;
	_ =	sdelay $0x1  }
0x42: {  	v4 =	vadd.s32 v1, v4;
	_ =	sdelay $0x3  }
0x43: {  	v3 =	vperm.xlane v3, v2  }
0x44: {  	[hbm4b:s4+s3] =	stream.indirect_vreg.scatter [tilespmem:s22], [sflag:$0x1], $0x80, v4, vm0, $0xb8;
	[tilespmem:$0x10100] =	vst v63  }
0x45: {  	v3 =	vadd.s32 v1, v3  }
0x46: {  	[hbm4b:s5+s3] =	stream.indirect_vreg.scatter [tilespmem:s23], [sflag:$0x1], $0x80, v4, vm0, $0xb8;
	[tilespmem:$0x10100] =	vst v63  }
0x47: {  	_ = 	snop  }
0x48: {  	[hbm4b:s6+s3] =	stream.indirect_vreg.scatter [tilespmem:s24], [sflag:$0x1], $0x80, v4, vm0, $0xb8;
	[tilespmem:$0x10100] =	vst v63  }
0x49: {  	_ = 	snop  }
0x4a: {  	[hbm4b:s4+s3] =	stream.indirect_vreg.scatter [tilespmem:s25], [sflag:$0x1], $0x80, v3, vm0, $0xb8;
	[tilespmem:$0x10100] =	vst v63  }
0x4b: {  	_ = 	snop  }
0x4c: {  	[hbm4b:s5+s3] =	stream.indirect_vreg.scatter [tilespmem:s26], [sflag:$0x1], $0x80, v3, vm0, $0xb8;
	[tilespmem:$0x10100] =	vst v63  }
0x4d: {  	_ = 	snop  }
0x4e: {  	[hbm4b:s6+s3] =	stream.indirect_vreg.scatter [tilespmem:s28], [sflag:$0x1], $0x80, v3, vm0, $0xb8;
	[tilespmem:$0x10100] =	vst v63  }
0x4f: {  	v3 =	vld [tilespmem:$0x20];
	_ =	sdelay $0x4  }
0x50: {  	v58 =	vshrl.u32 v3, $0x3  }
0x51: {  	v4 =	vmul.u32 $0x30, v58  }
0x52: {  	v3 =	vand.u32 $0x7, v3  }
0x53: {  	v3 =	vor.u32 v3, v4  }
0x54: {  	v4 =	vperm.xlane v3, v0;
	_ =	sdelay $0x1  }
0x55: {  	v4 =	vadd.s32 v1, v4;
	_ =	sdelay $0x3  }
0x56: {  	v3 =	vperm.xlane v3, v2  }
0x57: {  	[hbm4b:s4+s3] =	stream.indirect_vreg.scatter [tilespmem:s29], [sflag:$0x1], $0x80, v4, vm0, $0xb8;
	[tilespmem:$0x10100] =	vst v63  }
0x58: {  	v3 =	vadd.s32 v1, v3  }
0x59: {  	[hbm4b:s5+s3] =	stream.indirect_vreg.scatter [tilespmem:s30], [sflag:$0x1], $0x80, v4, vm0, $0xb8;
	[tilespmem:$0x10100] =	vst v63  }
0x5a: {  	_ = 	snop  }
0x5b: {  	[hbm4b:s6+s3] =	stream.indirect_vreg.scatter [tilespmem:s31], [sflag:$0x1], $0x80, v4, vm0, $0xb8;
	[tilespmem:$0x10100] =	vst v63  }
0x5c: {  	s1 =	simm.s32 $0x7900  }
0x5d: {  	[hbm4b:s4+s3] =	stream.indirect_vreg.scatter [tilespmem:s1], [sflag:$0x1], $0x80, v3, vm0, $0xb8;
	[tilespmem:$0x10100] =	vst v63  }
0x5e: {  	_ = 	snop  }
0x5f: {  	[hbm4b:s5+s3] =	stream.indirect_vreg.scatter [tilespmem:s15], [sflag:$0x1], $0x80, v3, vm0, $0xb8;
	[tilespmem:$0x10100] =	vst v63  }
0x60: {  	s2 =	simm.s32 $0x8900  }
0x61: {  	[hbm4b:s6+s3] =	stream.indirect_vreg.scatter [tilespmem:s2], [sflag:$0x1], $0x80, v3, vm0, $0xb8;
	[tilespmem:$0x10100] =	vst v63  }
0x62: {  	v3 =	vld [tilespmem:$0x30];
	_ =	sdelay $0x4  }
0x63: {  	v59 =	vshrl.u32 v3, $0x3  }
0x64: {  	v4 =	vmul.u32 $0x30, v59  }
0x65: {  	v3 =	vand.u32 $0x7, v3  }
0x66: {  	v3 =	vor.u32 v3, v4  }
0x67: {  	v4 =	vperm.xlane v3, v0;
	_ =	sdelay $0x1  }
0x68: {  	v4 =	vadd.s32 v1, v4;
	_ =	sdelay $0x3  }
0x69: {  	v3 =	vperm.xlane v3, v2  }
0x6a: {  	[hbm4b:s4+s3] =	stream.indirect_vreg.scatter [tilespmem:s9], [sflag:$0x1], $0x80, v4, vm0, $0xb8;
	[tilespmem:$0x10100] =	vst v63  }
0x6b: {  	v3 =	vadd.s32 v1, v3  }
0x6c: {  	[hbm4b:s5+s3] =	stream.indirect_vreg.scatter [tilespmem:s11], [sflag:$0x1], $0x80, v4, vm0, $0xb8;
	[tilespmem:$0x10100] =	vst v63  }
0x6d: {  	_ = 	snop  }
0x6e: {  	[hbm4b:s6+s3] =	stream.indirect_vreg.scatter [tilespmem:s12], [sflag:$0x1], $0x80, v4, vm0, $0xb8;
	[tilespmem:$0x10100] =	vst v63  }
0x6f: {  	_ = 	snop  }
0x70: {  	[hbm4b:s4+s3] =	stream.indirect_vreg.scatter [tilespmem:s10], [sflag:$0x1], $0x80, v3, vm0, $0xb8;
	[tilespmem:$0x10100] =	vst v63  }
0x71: {  	_ = 	snop  }
0x72: {  	[hbm4b:s5+s3] =	stream.indirect_vreg.scatter [tilespmem:s16], [sflag:$0x1], $0x80, v3, vm0, $0xb8;
	[tilespmem:$0x10100] =	vst v63  }
0x73: {  	_ = 	snop  }
0x74: {  	[hbm4b:s6+s3] =	stream.indirect_vreg.scatter [tilespmem:s17], [sflag:$0x1], $0x80, v3, vm0, $0xb8;
	[tilespmem:$0x10100] =	vst v63  }
0x75: {  	v3 =	vld [tilespmem:$0x80];
	_ =	sdelay $0x4  }
0x76: {  	v60 =	vshrl.u32 v3, $0x3  }
0x77: {  	v4 =	vmul.u32 $0x30, v60  }
0x78: {  	v3 =	vand.u32 $0x7, v3  }
0x79: {  	v3 =	vor.u32 v3, v4  }
0x7a: {  	v4 =	vperm.xlane v3, v0;
	_ =	sdelay $0x1  }
0x7b: {  	v4 =	vadd.s32 v1, v4;
	_ =	sdelay $0x3  }
0x7c: {  	v3 =	vperm.xlane v3, v2  }
0x7d: {  	[hbm4b:s4+s3] =	stream.indirect_vreg.scatter [tilespmem:s0], [sflag:$0x1], $0x80, v4, vm0, $0xb8;
	[tilespmem:$0x10100] =	vst v63  }
0x7e: {  	v3 =	vadd.s32 v1, v3  }
0x7f: {  	[hbm4b:s5+s3] =	stream.indirect_vreg.scatter [tilespmem:s14], [sflag:$0x1], $0x80, v4, vm0, $0xb8;
	[tilespmem:$0x10100] =	vst v63  }
0x80: {  	_ = 	snop  }
0x81: {  	[hbm4b:s6+s3] =	stream.indirect_vreg.scatter [tilespmem:s18], [sflag:$0x1], $0x80, v4, vm0, $0xb8;
	[tilespmem:$0x10100] =	vst v63  }
0x82: {  	_ = 	snop  }
0x83: {  	[hbm4b:s4+s3] =	stream.indirect_vreg.scatter [tilespmem:s19], [sflag:$0x1], $0x80, v3, vm0, $0xb8;
	[tilespmem:$0x10100] =	vst v63  }
0x84: {  	_ = 	snop  }
0x85: {  	[hbm4b:s5+s3] =	stream.indirect_vreg.scatter [tilespmem:s20], [sflag:$0x1], $0x80, v3, vm0, $0xb8;
	[tilespmem:$0x10100] =	vst v63  }
0x86: {  	_ = 	snop  }
0x87: {  	[hbm4b:s6+s3] =	stream.indirect_vreg.scatter [tilespmem:s21], [sflag:$0x1], $0x80, v3, vm0, $0xb8;
	[tilespmem:$0x10100] =	vst v63  }
0x88: {  	v3 =	vld [tilespmem:$0x90];
	_ =	sdelay $0x4  }
0x89: {  	v61 =	vshrl.u32 v3, $0x3  }
0x8a: {  	v4 =	vmul.u32 $0x30, v61  }
0x8b: {  	v3 =	vand.u32 $0x7, v3  }
0x8c: {  	v3 =	vor.u32 v3, v4  }
0x8d: {  	v4 =	vperm.xlane v3, v0;
	_ =	sdelay $0x1  }
0x8e: {  	v4 =	vadd.s32 v1, v4;
	_ =	sdelay $0x3  }
0x8f: {  	v3 =	vperm.xlane v3, v2  }
0x90: {  	[hbm4b:s4+s3] =	stream.indirect_vreg.scatter [tilespmem:s22], [sflag:$0x1], $0x80, v4, vm0, $0xb8;
	[tilespmem:$0x10100] =	vst v63  }
0x91: {  	v3 =	vadd.s32 v1, v3  }
0x92: {  	[hbm4b:s5+s3] =	stream.indirect_vreg.scatter [tilespmem:s23], [sflag:$0x1], $0x80, v4, vm0, $0xb8;
	[tilespmem:$0x10100] =	vst v63  }
0x93: {  	_ = 	snop  }
0x94: {  	[hbm4b:s6+s3] =	stream.indirect_vreg.scatter [tilespmem:s24], [sflag:$0x1], $0x80, v4, vm0, $0xb8;
	[tilespmem:$0x10100] =	vst v63  }
0x95: {  	_ = 	snop  }
0x96: {  	[hbm4b:s4+s3] =	stream.indirect_vreg.scatter [tilespmem:s25], [sflag:$0x1], $0x80, v3, vm0, $0xb8;
	[tilespmem:$0x10100] =	vst v63  }
0x97: {  	_ = 	snop  }
0x98: {  	[hbm4b:s5+s3] =	stream.indirect_vreg.scatter [tilespmem:s26], [sflag:$0x1], $0x80, v3, vm0, $0xb8;
	[tilespmem:$0x10100] =	vst v63  }
0x99: {  	_ = 	snop  }
0x9a: {  	[hbm4b:s6+s3] =	stream.indirect_vreg.scatter [tilespmem:s28], [sflag:$0x1], $0x80, v3, vm0, $0xb8;
	[tilespmem:$0x10100] =	vst v63  }
0x9b: {  	v3 =	vld [tilespmem:$0xA0];
	_ =	sdelay $0x4  }
0x9c: {  	v62 =	vshrl.u32 v3, $0x3  }
0x9d: {  	v4 =	vmul.u32 $0x30, v62  }
0x9e: {  	v3 =	vand.u32 $0x7, v3  }
0x9f: {  	v3 =	vor.u32 v3, v4  }
0xa0: {  	v4 =	vperm.xlane v3, v0;
	_ =	sdelay $0x1  }
0xa1: {  	v4 =	vadd.s32 v1, v4;
	_ =	sdelay $0x3  }
0xa2: {  	v3 =	vperm.xlane v3, v2  }
0xa3: {  	[hbm4b:s4+s3] =	stream.indirect_vreg.scatter [tilespmem:s29], [sflag:$0x1], $0x80, v4, vm0, $0xb8;
	[tilespmem:$0x10100] =	vst v63  }
0xa4: {  	v3 =	vadd.s32 v1, v3  }
0xa5: {  	[hbm4b:s5+s3] =	stream.indirect_vreg.scatter [tilespmem:s30], [sflag:$0x1], $0x80, v4, vm0, $0xb8;
	[tilespmem:$0x10100] =	vst v63  }
0xa6: {  	_ = 	snop  }
0xa7: {  	[hbm4b:s6+s3] =	stream.indirect_vreg.scatter [tilespmem:s31], [sflag:$0x1], $0x80, v4, vm0, $0xb8;
	[tilespmem:$0x10100] =	vst v63  }
0xa8: {  	_ = 	snop  }
0xa9: {  	[hbm4b:s4+s3] =	stream.indirect_vreg.scatter [tilespmem:s1], [sflag:$0x1], $0x80, v3, vm0, $0xb8;
	[tilespmem:$0x10100] =	vst v63  }
0xaa: {  	_ = 	snop  }
0xab: {  	[hbm4b:s5+s3] =	stream.indirect_vreg.scatter [tilespmem:s15], [sflag:$0x1], $0x80, v3, vm0, $0xb8;
	[tilespmem:$0x10100] =	vst v63  }
0xac: {  	_ = 	snop  }
0xad: {  	[hbm4b:s6+s3] =	stream.indirect_vreg.scatter [tilespmem:s2], [sflag:$0x1], $0x80, v3, vm0, $0xb8;
	[tilespmem:$0x10100] =	vst v63  }
0xae: {  	v3 =	vld [tilespmem:$0xB0];
	_ =	sdelay $0x4  }
0xaf: {  	v63 =	vshrl.u32 v3, $0x3  }
0xb0: {  	v4 =	vmul.u32 $0x30, v63  }
0xb1: {  	v3 =	vand.u32 $0x7, v3  }
0xb2: {  	v3 =	vor.u32 v3, v4  }
0xb3: {  	v4 =	vperm.xlane v3, v0;
	_ =	sdelay $0x1  }
0xb4: {  	v4 =	vadd.s32 v1, v4;
	_ =	sdelay $0x3  }
0xb5: {  	v3 =	vperm.xlane v3, v2  }
0xb6: {  	[hbm4b:s4+s3] =	stream.indirect_vreg.scatter [tilespmem:s9], [sflag:$0x1], $0x80, v4, vm0, $0xb8;
	[tilespmem:$0x10100] =	vst v63  }
0xb7: {  	v3 =	vadd.s32 v1, v3  }
0xb8: {  	[hbm4b:s5+s3] =	stream.indirect_vreg.scatter [tilespmem:s11], [sflag:$0x1], $0x80, v4, vm0, $0xb8;
	[tilespmem:$0x10100] =	vst v63  }
0xb9: {  	_ = 	snop  }
0xba: {  	[hbm4b:s6+s3] =	stream.indirect_vreg.scatter [tilespmem:s12], [sflag:$0x1], $0x80, v4, vm0, $0xb8;
	[tilespmem:$0x10100] =	vst v63  }
0xbb: {  	_ = 	snop  }
0xbc: {  	[hbm4b:s4+s3] =	stream.indirect_vreg.scatter [tilespmem:s10], [sflag:$0x1], $0x80, v3, vm0, $0xb8;
	[tilespmem:$0x10100] =	vst v63  }
0xbd: {  	_ = 	snop  }
0xbe: {  	[hbm4b:s5+s3] =	stream.indirect_vreg.scatter [tilespmem:s16], [sflag:$0x1], $0x80, v3, vm0, $0xb8;
	[tilespmem:$0x10100] =	vst v63  }
0xbf: {  	_ = 	snop  }
0xc0: {  	[hbm4b:s6+s3] =	stream.indirect_vreg.scatter [tilespmem:s17], [sflag:$0x1], $0x80, v3, vm0, $0xb8;
	[tilespmem:$0x10100] =	vst v63  }
0xc1: {  	s0 =	simm.s32 $0x40;
	s14 =	rddreg [dreg:$0x2];
	s2 =	simm.s32 $0xC100  }
0xc2: {  	[hbm4b:s14+s0] =	stream.indirect.scatter [tilespmem:s2], [sflag:$0x1], $0x80, s3, s0, $0xb8;
	[tilespmem:$0x10100] =	vst v63  }
0xc3: {  	s1 =	simm.s32 $0x80;
	s2 =	simm.s32 $0xE100  }
0xc4: {  	[hbm4b:s14+s0] =	stream.indirect.scatter [tilespmem:s2], [sflag:$0x1], $0x80, s1, s0, $0xb8;
	[tilespmem:$0x10100] =	vst v63  }
0xc5: {  	_ =	swait.ge [sflag:s13], $0xC000  }
0xc6: {  	[sflag:s13] =	ssyncset.done $0x0  }
0xc7: {  	[sflag:s13] =	ssyncadd.s32 $0xFFFF4000  }
0xc8: {  	_ =	swait.ge [sflag:s13], $0xC000  }
0xc9: {  	[sflag:s13] =	ssyncset.done $0x0  }
0xca: {  	[sflag:s13] =	ssyncadd.s32 $0xFFFF4000  }
0xcb: {  	p0 =	sne.s32 s7, $0x1;
	_ =	swait.ge [sflag:s13], $0x2000  }
.Ltmp0:
0xcc: {  	[sflag:s13] =	ssyncset.done $0x0;
	(pc) =	sbr.rel @p0 .LBB2_1-.Ltmp0, $4  }
0xcd: {  	[sflag:s13] =	ssyncadd.s32 $0xFFFFE000  }
0xce: {  	_ =	swait.ge [sflag:s13], $0x2000  }
0xcf: {  	[sflag:s13] =	ssyncset.done $0x0  }
0xd0: {  	s7 =	sadd.s32 $0xFFFFFFFF, s7;
	[sflag:s13] =	ssyncadd.s32 $0xFFFFE000  }
0xd1: {  	_ =	sfence.sel $0x180000  }
0xd2: {  	[bflag:$0x0] =	sbarrier.arrive $0xFFFF  }
0xd3: {  	_ =	strace $0x90000047  }
0xd4: {  	s0 =	stileid.u32;
	[bflag:$0x2] =	sbarrier.arrive $0xFFFF  }
0xd5: {  	p0 =	sne.s32 s0, $0x0;
	s0 =	rddreg [dreg:$0x3]  }
0xd6: {  	s0 =	sadd.s32 @!p0 $0x100000, s0  }
0xd7: {  	[sflag:s0] =	ssyncadd.tile.s32 @!p0 $0x1;
	_ =	shalt  }
.Lfunc_end2:
_tile_overlayer_lowered:
.L_overlay_start_2:
0xd8: {  	(tag) =	ssettag $0x2  }
0xd9: {  	s0 =	rddreg [dreg:$0x0];
	s2 =	stileid.u32  }
0xda: {  	s1 =	rddreg [dreg:$0x1];
	p0 =	sne.s32 s2, $0x0  }
0xdb: {  	s3 =	rddreg [dreg:$0x2];
	[bflag:$0x3] =	sbarrier.arrive $0xFFFF;
	s2 =	simm.s32 @!p0 $0x1C02  }
0xdc: {  	[timem:s3], [sflag:s2] =	dma.local @!p0 [hbm:s0], s1  }
0xdd: {  	s0 =	simm.s32 @!p0 $0x2  }
0xde: {  	_ =	swait.ge @!p0 [sflag:s0], s1  }
0xdf: {  	s1 =	ssub.s32 @!p0 $0x0, s1;
	[sflag:s0] =	ssyncset.done @!p0 $0x0  }
0xe0: {  	[sflag:s0] =	ssyncadd.s32 @!p0 s1  }
0xe1: {  	[bflag:$0x3] =	sbarrier.arrive $0xFFFF  }
0xe2: {  	_ =	shalt  }

// kernel: kernel.9.cloned.1.call-start
scs
__scs_entry_jumppad:
0x0: {  	(pc) =	sbr.rel $0x88, $3  }
0x1: {  	(tag) =	ssettag $0x0;
	lr =	simm.s32 $0x1  }
0x2: {  	[smem:$0x3F9D] =	sst lr;
	_ =	strace $0xD0000000  }
0x3: {  	_ = 	snop  }
0x4: {  	_ = 	snop  }
0x5: {  	_ = 	snop  }
0x6: {  	_ = 	snop  }
0x7: {  	_ = 	snop  }
__scs_overlays_trampoline_lowered:
0x8: {  	[smem:$0x3FAC] =	sst s0  }
0x9: {  	[smem:$0x3FAD] =	sst s1  }
0xa: {  	[smem:$0x3FAE] =	sst s2  }
0xb: {  	[smem:$0x3FAF] =	sst s3  }
0xc: {  	[smem:$0x3FB0] =	sst s4  }
0xd: {  	[smem:$0x3FB1] =	sst s5  }
0xe: {  	[smem:$0x3FB2] =	sst s6  }
0xf: {  	[smem:$0x3FB3] =	sst s7  }
0x10: {  	[smem:$0x3FB4] =	sst s8  }
0x11: {  	[smem:$0x3FB5] =	sst s9;
	s0 =	simm.s32 @!p0 $0x0  }
0x12: {  	s1 =	sld [smem:$0x3F9B];
	s0 =	simm.s32 @p0 $0x1  }
0x13: {  	[smem:$0x3FB6] =	sst s0;
	s0 =	simm.s32 @!p1 $0x0  }
0x14: {  	s2 =	sld [smem:$0x3F9A];
	s0 =	simm.s32 @p1 $0x1  }
0x15: {  	[smem:$0x3FB7] =	sst s0;
	s0 =	simm.s32 @!p2 $0x0  }
0x16: {  	s3 =	sld [smem:$0x3FDB];
	s0 =	simm.s32 @p2 $0x1  }
0x17: {  	s4 =	simm.s32 $0x1BF5;
	[smem:$0x3FB9] =	sst s0  }
0x18: {  	s0 =	sld [smem:$0x3F9C];
	_ =	swait.ge [sflag:s4], $0x0  }
0x19: {  	s7 =	sld [smem:$0x3F9D]  }
0x1a: {  	s8 =	sadd.s32 $0xFFFFE003, lr  }
0x1b: {  	s9 =	sadd.s32 $0xFFFFFEF7, lr;
	s5 =	simm.s32 $0xFFFFFFFF;
	p2 =	slt.u32 s8, $0xFFFFF086  }
0x1c: {  	p1 =	slt.u32 s9, $0xF7A;
	s5 =	simm.s32 @!p2 $0x0  }
0x1d: {  	s5 =	simm.s32 @p1 $0x1;
	p0 =	seq.s32 s7, s2  }
0x1e: {  	s7 =	smul.u32 @!p0 $0xF7A, s2;
	p2 =	seq.s32 @!p0 s5, $0x0  }
0x1f: {  	s9 =	smul.u32 $0xF7A, s1;
	s8 =	simm.s32 @!p0 $0x1BF5;
	p2 =	por !p2, p0  }
0x20: {  	[sflag:s8] =	ssyncset.s32 @!p0 $0xFFFFF086;
	s6 =	sadd.s32 @!p0 s3, s7;
	s7 =	simm.s32 @!p0 $0x108  }
0x21: {  	s3 =	sadd.s32 s3, s9;
	s6 =	sadd.s32 @!p0 $0x88, s6;
	s7 =	simm.s32 @p2 $0x1082  }
0x22: {  	[simem:s7], [sflag:s8] =	dma.local @!p0 [hbm:s6], $0xF7A  }
0x23: {  	s9 =	sor.u32 $0xD0000000, s2;
	s6 =	simm.s32 $0x108;
	_ =	swait.ge @!p0 [sflag:s8], $0x0  }
0x24: {  	s3 =	sadd.s32 $0x88, s3;
	s6 =	simm.s32 @!p1 $0x1082;
	[sflag:s4] =	ssyncset.s32 $0xFFFFF086  }
0x25: {  	[simem:s6], [sflag:s4] =	dma.local [hbm:s3], $0xF7A  }
0x26: {  	[smem:$0x3F9D] =	sst s1;
	(tag) =	ssettag s2;
	_ =	strace s9  }
0x27: {  	s1 =	sld [smem:$0x3FAD]  }
0x28: {  	s2 =	sld [smem:$0x3FAE]  }
0x29: {  	s4 =	sld [smem:$0x3FB0]  }
0x2a: {  	p0 =	seq.s32 s5, $0x0;
	s5 =	sld [smem:$0x3FB1]  }
0x2b: {  	s6 =	sld [smem:$0x3FB2]  }
0x2c: {  	s7 =	sld [smem:$0x3FB3]  }
0x2d: {  	s3 =	simm.s32 $0x108;
	s8 =	sld [smem:$0x3FB4]  }
0x2e: {  	s3 =	simm.s32 @!p0 $0x1082;
	s9 =	sld [smem:$0x3FB5]  }
0x2f: {  	lr =	sadd.s32 s0, s3;
	s0 =	sld [smem:$0x3FAC]  }
0x30: {  	s3 =	sld [smem:$0x3FAF]  }
0x31: {  	[smem:$0x3FB8] =	sst s10  }
0x32: {  	s10 =	sld [smem:$0x3FB6];
	_ =	sdelay $0x3  }
0x33: {  	p0 =	seq.s32 s10, $0x1;
	s10 =	sld [smem:$0x3FB8];
	_ =	sdelay $0x3  }
0x34: {  	[smem:$0x3FB8] =	sst s10  }
0x35: {  	s10 =	sld [smem:$0x3FB7];
	_ =	sdelay $0x3  }
0x36: {  	p1 =	seq.s32 s10, $0x1;
	s10 =	sld [smem:$0x3FB8];
	_ =	sdelay $0x3  }
0x37: {  	[smem:$0x3FB8] =	sst s10  }
0x38: {  	s10 =	sld [smem:$0x3FB9]  }
0x39: {  	_ = 	snop;
	(pc) =	sbr.ind lr, $3  }
0x3a: {  	_ = 	snop  }
0x3b: {  	_ = 	snop  }
0x3c: {  	p2 =	seq.s32 s10, $0x1;
	s10 =	sld [smem:$0x3FB8]  }
0x3d: {  	_ =	shalt  }
0x3e: {  	_ =	shalt  }
0x3f: {  	_ =	shalt  }
0x40: {  	_ =	shalt  }
0x41: {  	_ =	shalt  }
0x42: {  	_ =	shalt  }
0x43: {  	_ =	shalt  }
0x44: {  	_ =	shalt  }
0x45: {  	_ =	shalt  }
0x46: {  	_ =	shalt  }
0x47: {  	_ =	shalt  }
0x48: {  	_ =	shalt  }
0x49: {  	_ =	shalt  }
0x4a: {  	_ =	shalt  }
0x4b: {  	_ =	shalt  }
0x4c: {  	_ =	shalt  }
0x4d: {  	_ =	shalt  }
0x4e: {  	_ =	shalt  }
0x4f: {  	_ =	shalt  }
0x50: {  	_ =	shalt  }
0x51: {  	_ =	shalt  }
0x52: {  	_ =	shalt  }
0x53: {  	_ =	shalt  }
0x54: {  	_ =	shalt  }
0x55: {  	_ =	shalt  }
0x56: {  	_ =	shalt  }
0x57: {  	_ =	shalt  }
0x58: {  	_ =	shalt  }
0x59: {  	_ =	shalt  }
0x5a: {  	_ =	shalt  }
0x5b: {  	_ =	shalt  }
0x5c: {  	_ =	shalt  }
0x5d: {  	_ =	shalt  }
0x5e: {  	_ =	shalt  }
0x5f: {  	_ =	shalt  }
0x60: {  	_ =	shalt  }
0x61: {  	_ =	shalt  }
0x62: {  	_ =	shalt  }
0x63: {  	_ =	shalt  }
0x64: {  	_ =	shalt  }
0x65: {  	_ =	shalt  }
0x66: {  	_ =	shalt  }
0x67: {  	_ =	shalt  }
0x68: {  	_ =	shalt  }
0x69: {  	_ =	shalt  }
0x6a: {  	_ =	shalt  }
0x6b: {  	_ =	shalt  }
0x6c: {  	_ =	shalt  }
0x6d: {  	_ =	shalt  }
0x6e: {  	_ =	shalt  }
0x6f: {  	_ =	shalt  }
0x70: {  	_ =	shalt  }
0x71: {  	_ =	shalt  }
0x72: {  	_ =	shalt  }
0x73: {  	_ =	shalt  }
0x74: {  	_ =	shalt  }
0x75: {  	_ =	shalt  }
0x76: {  	_ =	shalt  }
0x77: {  	_ =	shalt  }
0x78: {  	_ =	shalt  }
0x79: {  	_ =	shalt  }
0x7a: {  	_ =	shalt  }
0x7b: {  	_ =	shalt  }
0x7c: {  	_ =	shalt  }
0x7d: {  	_ =	shalt  }
0x7e: {  	_ =	shalt  }
0x7f: {  	_ =	shalt  }
0x80: {  	_ =	shalt  }
0x81: {  	_ =	shalt  }
0x82: {  	_ =	shalt  }
0x83: {  	_ =	shalt  }
0x84: {  	_ =	shalt  }
0x85: {  	_ =	shalt  }
0x86: {  	_ =	shalt  }
0x87: {  	_ =	shalt  }
.Lfunc_end0:
.L_simem_size_0:
called_computation.1_lowered:
.L_overlay_start_0:
0x88: {  	s2 =	sld [smem:$0x3FD9]  }
0x89: {  	s3 =	sld [smem:$0x3FFE];
	_ =	sdelay $0x1  }
0x8a: {  	s1 =	srdreg.scid  }
0x8b: {  	s0 =	sand.u32 $0x1, s1  }
0x8c: {  	s14 =	sshll.u32 s0, $0xA;
	s2 =	sadd.s32 s3, s2  }
0x8d: {  	s2 =	sadd.s32 s2, s14  }
0x8e: {  	[smem:$0x3FC4] =	sst s2  }
0x8f: {  	_ = 	snop  }
0x90: {  	s2 =	sld [smem:$0x3FD0];
	_ =	sdelay $0x2  }
0x91: {  	s15 =	simm.s32 $0xA;
	s4 =	simm.s32 $0x10  }
0x92: {  	[smem:s4], [sflag:s15] =	dma.local [hbm:s2], $0x1  }
0x93: {  	_ =	swait.eq [sflag:s15], $0x1  }
0x94: {  	[sflag:s15] =	ssyncset.done $0x0  }
0x95: {  	[sflag:s15] =	ssyncadd.s32 $0xFFFFFFFF  }
0x96: {  	s16 =	sld [smem:$0x10];
	(tm) =	ssettm $0x1  }
0x97: {  	s17 =	sld [smem:$0x3FFB];
	_ =	sdelay $0x3  }
0x98: {  	_ =	strace s17  }
0x99: {  	s3 =	sld [smem:$0x3FFC];
	_ =	sdelay $0x3  }
0x9a: {  	_ =	strace s3  }
0x9b: {  	s3 =	sld [smem:$0x3FFD];
	_ =	sdelay $0x3  }
0x9c: {  	_ =	strace s3  }
0x9d: {  	_ =	strace $0x8FFFFFFF  }
0x9e: {  	s18 =	sld [smem:$0x3FDB];
	_ =	sdelay $0x1  }
0x9f: {  	s19 =	simm.s32 $_scs_section_size  }
0xa0: {  	s5 =	simm.s32 $_size__tile_overlayer_lowered;
	s6 =	simm.s32 $_tile_overlayer_lowered  }
0xa1: {  	s22 =	simm.s32 $0x1BFF;
	s21 =	sshll.u32 s6, $0x1;
	s3 =	sadd.s32 s19, s18  }
0xa2: {  	s7 =	simm.s32 $0x0;
	s20 =	sshll.u32 s5, $0x1;
	s5 =	sadd.s32 s21, s3  }
0xa3: {  	[timem:s7], [sflag:s22] =	dma.local [hbm:s5], s20  }
0xa4: {  	_ =	swait.ge [sflag:s22], s20  }
0xa5: {  	s4 =	ssub.s32 $0x0, s20;
	[sflag:s22] =	ssyncset.done $0x0  }
0xa6: {  	[sflag:s22] =	ssyncadd.s32 s4;
	_ =	sdelay $0x1  }
0xa7: {  	s23 =	simm.s32 $0x1B8B  }
0xa8: {  	_ =	swait.ge [sflag:s23], $0x1  }
0xa9: {  	[sflag:s23] =	ssyncset.done $0x0  }
0xaa: {  	s25 =	simm.s32 $0x1B8E;
	s24 =	sld [smem:$0x3FFE];
	[sflag:s23] =	ssyncadd.s32 $0xFFFFFFFF  }
0xab: {  	s26 =	simm.s32 $execute0_lowered;
	[smem:$0x3FD2] =	sst s25  }
0xac: {  	s5 =	sshll.u32 s26, $0x1;
	_ =	strace $0x80000049;
	[dreg:$0x1] =	wrdreg $0xFFFFFFFF  }
0xad: {  	s28 =	simm.s32 $_size_execute0_lowered;
	s3 =	sadd.s32 s3, s5;
	[dreg:$0x0] =	wrdreg $0x0  }
0xae: {  	s5 =	sshll.u32 s28, $0x1;
	[dreg:$0x2] =	wrdreg s3  }
0xaf: {  	[dreg:$0x3] =	wrdreg s5  }
0xb0: {  	[dreg:$0x4] =	wrdreg $0xC0  }
0xb1: {  	_ =	task [dreg:s7], $0x5FFFF  }
0xb2: {  	[dreg:$0x1] =	wrdreg $0xFFFFFFFF  }
0xb3: {  	[dreg:$0x0] =	wrdreg $0x60  }
0xb4: {  	[dreg:$0x2] =	wrdreg s24  }
0xb5: {  	[dreg:$0x3] =	wrdreg s16  }
0xb6: {  	[dreg:$0x4] =	wrdreg $0x9  }
0xb7: {  	_ =	task.clear_ibuf [dreg:s7], $0x5FFFF;
	_ =	strace $0x90000049  }
0xb8: {  	s29 =	simm.s32 $0x9;
	_ =	strace $0x8000004B  }
0xb9: {  	_ =	swait.ge [sflag:s29], $0x1  }
0xba: {  	[sflag:s29] =	ssyncadd.s32 $0xFFFFFFFF  }
0xbb: {  	_ =	strace $0x9000004B  }
0xbc: {  	_ =	sfence  }
0xbd: {  	s30 =	sld [smem:$0x0];
	_ =	sdelay $0x2  }
0xbe: {  	s31 =	sshll.u32 s1, $0xD;
	s1 =	sshrl.u32 s1, $0x2  }
0xbf: {  	s3 =	sand.u32 $0x4000, s31;
	s1 =	sadd.s32 s1, s30  }
0xc0: {  	s0 =	sor.u32 s3, s0;
	s1 =	sshll.u32 s1, $0x11  }
0xc1: {  	s0 =	sor.u32 s1, s0  }
0xc2: {  	s0 =	sadd.s32 $0x8F2B, s0  }
0xc3: {  	[sflag:s0] =	ssyncadd.remote.s32 $0x1  }
0xc4: {  	_ =	sfence.sel $0xFFFF  }
0xc5: {  	[dreg:$0x0] =	wrdreg $0xFFFFFFFF;
	(pc) =	sbr.abs _section_cstart, $3  }
0xc6: {  	[dreg:$0x1] =	wrdreg $0xFFFFFFFF  }
0xc7: {  	_ =	task.clear_ibuf [dreg:s7], $0x2FFFF;
	_ =	strace $0x9FFFFFFF  }
0xc8: {  	(tm) =	ssettm $0x7FFFFFFF  }
0xc9: {  	_ =	shalt  }
tec
execute0_lowered:
.L_overlay_start_1:
0x0: {  	(tag) =	ssettag $0x1  }
0x1: {  	s0 =	rddreg [dreg:$0x0]  }
0x2: {  	s1 =	simm.s32 $0x0;
	s25 =	srdreg.scid;
	s7 =	stileid.u32  }
0x3: {  	s11 =	simm.s32 $0x2;
	s13 =	simm.s32 $0x100;
	s21 =	simm.s32 $0x4100  }
0x4: {  	s22 =	simm.s32 $0x4900;
	s23 =	simm.s32 $0x5100;
	s24 =	simm.s32 $0x5900  }
0x5: {  	s28 =	simm.s32 $0x6900;
	s29 =	simm.s32 $0x7100;
	s30 =	simm.s32 $0x7900  }
0x6: {  	s31 =	simm.s32 $0x8100;
	s10 =	simm.s32 $0x9900;
	s12 =	simm.s32 $0xB100  }
0x7: {  	s14 =	simm.s32 $0xB900;
	s16 =	simm.s32 $0x0;
	[smem:$0x7FF] =	sst s1  }
0x8: {  	s4 =	sadd.s32 $0x114C00, s0;
	s5 =	sadd.s32 $0x18800, s0;
	s1 =	sand.u32 $0x1, s25  }
0x9: {  	s6 =	sadd.s32 $0x18A00, s0;
	s7 =	sshll.u32 s7, $0x4;
	s8 =	sadd.s32 $0x114D00, s0  }
0xa: {  	s9 =	sadd.s32 $0x114E00, s0;
	s25 =	simm.s32 $0x1;
	s2 =	ssub.s32 $0x2, s1  }
0xb: {  	s0 =	simm.s32 $0x8900;
	s1 =	sshll.u32 s1, $0x3;
	s3 =	sshrl.u32 s2, $0x1  }
0xc: {  	v2 =	vlaneseq.u32;
	_ =	strace $0x8000004A;
	s7 =	sor.u32 s1, s7;
	s2 =	ssub.s32 s2, s3  }
0xd: {  	vm0 =	vmmov $0xffff;
	v1 =	vshrl.u32 v2, $0x3;
	s1 =	simm.s32 $0xA100;
	s3 =	simm.s32 $0x9100;
	s26 =	smax.u32 s2, $0x1  }
0xe: {  	v0 =	vand.u32 $0x7, v2;
	v2 =	vor.u32 $0x8, v2;
	v1 =	vmul.u32 $0x8, v1;
	s2 =	simm.s32 $0xA900;
	[dreg:$0x3] =	wrdreg s26;
	s26 =	simm.s32 $0x6100  }
.LBB2_1:
0xf: {  	[dreg:$0x4] =	wrdreg s16;
	p1 =	por $0x1, $0x1;
	s15 =	simm.s32 $0x0  }
.LBB2_2:
0x10: {  	s15 =	sor.u32 s7, s15  }
0x11: {  	s16 =	simm.s32 $0x0;
	s17 =	sadd.s32 s5, s15  }
0x12: {  	[tilespmem:s16], [sflag:$0x2] =	stream.linear.gather [hbm4b:s17+s16], $0x20, $0x38;
	[tilespmem:$0xC100] =	vst v63  }
0x13: {  	_ =	swait.ge [sflag:s11], $0x20  }
0x14: {  	[sflag:s11] =	ssyncset.done $0x0  }
0x15: {  	s18 =	simm.s32 $0x80;
	s20 =	sadd.s32 s6, s15;
	[sflag:s11] =	ssyncadd.s32 $0xFFFFFFE0  }
0x16: {  	[tilespmem:s18], [sflag:$0x2] =	stream.linear.gather [hbm4b:s20+s16], $0x20, $0x38;
	[tilespmem:$0xC100] =	vst v63  }
0x17: {  	_ =	swait.ge [sflag:s11], $0x20  }
0x18: {  	[sflag:s11] =	ssyncset.done $0x0  }
0x19: {  	[sflag:s11] =	ssyncadd.s32 $0xFFFFFFE0  }
0x1a: {  	v3 =	vld [tilespmem:$0x0];
	_ =	sdelay $0x4  }
0x1b: {  	v4 =	vshrl.u32 v3, $0x3  }
0x1c: {  	v4 =	vmul.u32 $0x30, v4  }
0x1d: {  	v3 =	vand.u32 $0x7, v3  }
0x1e: {  	v3 =	vor.u32 v3, v4  }
0x1f: {  	v4 =	vperm.xlane v3, v0;
	_ =	sdelay $0x1  }
0x20: {  	v4 =	vadd.s32 v1, v4;
	_ =	sdelay $0x3  }
0x21: {  	v3 =	vperm.xlane v3, v2  }
0x22: {  	[tilespmem:s13], [sflag:$0x1] =	stream.indirect_vreg.gather [hbm4b:s4+s16], $0x80, v4, vm0, $0xb8;
	[tilespmem:$0xC100] =	vst v63  }
0x23: {  	s18 =	simm.s32 $0x900;
	v3 =	vadd.s32 v1, v3  }
0x24: {  	[tilespmem:s18], [sflag:$0x1] =	stream.indirect_vreg.gather [hbm4b:s8+s16], $0x80, v4, vm0, $0xb8;
	[tilespmem:$0xC100] =	vst v63  }
0x25: {  	s19 =	simm.s32 $0x1100  }
0x26: {  	[tilespmem:s19], [sflag:$0x1] =	stream.indirect_vreg.gather [hbm4b:s9+s16], $0x80, v4, vm0, $0xb8;
	[tilespmem:$0xC100] =	vst v63  }
0x27: {  	s20 =	simm.s32 $0x1900  }
0x28: {  	[tilespmem:s20], [sflag:$0x1] =	stream.indirect_vreg.gather [hbm4b:s4+s16], $0x80, v3, vm0, $0xb8;
	[tilespmem:$0xC100] =	vst v63  }
0x29: {  	s18 =	simm.s32 $0x2100  }
0x2a: {  	[tilespmem:s18], [sflag:$0x1] =	stream.indirect_vreg.gather [hbm4b:s8+s16], $0x80, v3, vm0, $0xb8;
	[tilespmem:$0xC100] =	vst v63  }
0x2b: {  	s19 =	simm.s32 $0x2900  }
0x2c: {  	[tilespmem:s19], [sflag:$0x1] =	stream.indirect_vreg.gather [hbm4b:s9+s16], $0x80, v3, vm0, $0xb8;
	[tilespmem:$0xC100] =	vst v63  }
0x2d: {  	v3 =	vld [tilespmem:$0x10];
	_ =	sdelay $0x4  }
0x2e: {  	v4 =	vshrl.u32 v3, $0x3  }
0x2f: {  	v4 =	vmul.u32 $0x30, v4  }
0x30: {  	v3 =	vand.u32 $0x7, v3  }
0x31: {  	v3 =	vor.u32 v3, v4  }
0x32: {  	v4 =	vperm.xlane v3, v0;
	_ =	sdelay $0x1  }
0x33: {  	v4 =	vadd.s32 v1, v4;
	_ =	sdelay $0x3  }
0x34: {  	s20 =	simm.s32 $0x3100;
	v3 =	vperm.xlane v3, v2  }
0x35: {  	[tilespmem:s20], [sflag:$0x1] =	stream.indirect_vreg.gather [hbm4b:s4+s16], $0x80, v4, vm0, $0xb8;
	[tilespmem:$0xC100] =	vst v63  }
0x36: {  	s18 =	simm.s32 $0x3900;
	v3 =	vadd.s32 v1, v3  }
0x37: {  	[tilespmem:s18], [sflag:$0x1] =	stream.indirect_vreg.gather [hbm4b:s8+s16], $0x80, v4, vm0, $0xb8;
	[tilespmem:$0xC100] =	vst v63  }
0x38: {  	_ = 	snop  }
0x39: {  	[tilespmem:s21], [sflag:$0x1] =	stream.indirect_vreg.gather [hbm4b:s9+s16], $0x80, v4, vm0, $0xb8;
	[tilespmem:$0xC100] =	vst v63  }
0x3a: {  	_ = 	snop  }
0x3b: {  	[tilespmem:s22], [sflag:$0x1] =	stream.indirect_vreg.gather [hbm4b:s4+s16], $0x80, v3, vm0, $0xb8;
	[tilespmem:$0xC100] =	vst v63  }
0x3c: {  	_ = 	snop  }
0x3d: {  	[tilespmem:s23], [sflag:$0x1] =	stream.indirect_vreg.gather [hbm4b:s8+s16], $0x80, v3, vm0, $0xb8;
	[tilespmem:$0xC100] =	vst v63  }
0x3e: {  	_ = 	snop  }
0x3f: {  	[tilespmem:s24], [sflag:$0x1] =	stream.indirect_vreg.gather [hbm4b:s9+s16], $0x80, v3, vm0, $0xb8;
	[tilespmem:$0xC100] =	vst v63  }
0x40: {  	_ =	swait.ge [sflag:s25], $0x6000  }
0x41: {  	[sflag:s25] =	ssyncset.done $0x0  }
0x42: {  	[sflag:s25] =	ssyncadd.s32 $0xFFFFA000  }
0x43: {  	v3 =	vld [tilespmem:$0x80];
	_ =	sdelay $0x4  }
0x44: {  	v4 =	vshrl.u32 v3, $0x3  }
0x45: {  	v4 =	vmul.u32 $0x30, v4  }
0x46: {  	v3 =	vand.u32 $0x7, v3  }
0x47: {  	v3 =	vor.u32 v3, v4  }
0x48: {  	v4 =	vperm.xlane v3, v0;
	_ =	sdelay $0x1  }
0x49: {  	v4 =	vadd.s32 v1, v4;
	_ =	sdelay $0x3  }
0x4a: {  	v3 =	vperm.xlane v3, v2  }
0x4b: {  	[tilespmem:s26], [sflag:$0x1] =	stream.indirect_vreg.gather [hbm4b:s4+s16], $0x80, v4, vm0, $0xb8;
	[tilespmem:$0xC100] =	vst v63  }
0x4c: {  	v3 =	vadd.s32 v1, v3  }
0x4d: {  	[tilespmem:s28], [sflag:$0x1] =	stream.indirect_vreg.gather [hbm4b:s8+s16], $0x80, v4, vm0, $0xb8;
	[tilespmem:$0xC100] =	vst v63  }
0x4e: {  	_ = 	snop  }
0x4f: {  	[tilespmem:s29], [sflag:$0x1] =	stream.indirect_vreg.gather [hbm4b:s9+s16], $0x80, v4, vm0, $0xb8;
	[tilespmem:$0xC100] =	vst v63  }
0x50: {  	_ = 	snop  }
0x51: {  	[tilespmem:s30], [sflag:$0x1] =	stream.indirect_vreg.gather [hbm4b:s4+s16], $0x80, v3, vm0, $0xb8;
	[tilespmem:$0xC100] =	vst v63  }
0x52: {  	_ = 	snop  }
0x53: {  	[tilespmem:s31], [sflag:$0x1] =	stream.indirect_vreg.gather [hbm4b:s8+s16], $0x80, v3, vm0, $0xb8;
	[tilespmem:$0xC100] =	vst v63  }
0x54: {  	_ = 	snop  }
0x55: {  	[tilespmem:s0], [sflag:$0x1] =	stream.indirect_vreg.gather [hbm4b:s9+s16], $0x80, v3, vm0, $0xb8;
	[tilespmem:$0xC100] =	vst v63  }
0x56: {  	v3 =	vld [tilespmem:$0x90];
	_ =	sdelay $0x4  }
0x57: {  	v4 =	vshrl.u32 v3, $0x3  }
0x58: {  	v4 =	vmul.u32 $0x30, v4  }
0x59: {  	v3 =	vand.u32 $0x7, v3  }
0x5a: {  	v3 =	vor.u32 v3, v4  }
0x5b: {  	v4 =	vperm.xlane v3, v0;
	_ =	sdelay $0x1  }
0x5c: {  	v4 =	vadd.s32 v1, v4;
	_ =	sdelay $0x3  }
0x5d: {  	v3 =	vperm.xlane v3, v2  }
0x5e: {  	[tilespmem:s3], [sflag:$0x1] =	stream.indirect_vreg.gather [hbm4b:s4+s16], $0x80, v4, vm0, $0xb8;
	[tilespmem:$0xC100] =	vst v63  }
0x5f: {  	v3 =	vadd.s32 v1, v3  }
0x60: {  	[tilespmem:s10], [sflag:$0x1] =	stream.indirect_vreg.gather [hbm4b:s8+s16], $0x80, v4, vm0, $0xb8;
	[tilespmem:$0xC100] =	vst v63  }
0x61: {  	_ = 	snop  }
0x62: {  	[tilespmem:s1], [sflag:$0x1] =	stream.indirect_vreg.gather [hbm4b:s9+s16], $0x80, v4, vm0, $0xb8;
	[tilespmem:$0xC100] =	vst v63  }
0x63: {  	_ = 	snop  }
0x64: {  	[tilespmem:s2], [sflag:$0x1] =	stream.indirect_vreg.gather [hbm4b:s4+s16], $0x80, v3, vm0, $0xb8;
	[tilespmem:$0xC100] =	vst v63  }
0x65: {  	_ = 	snop  }
0x66: {  	[tilespmem:s12], [sflag:$0x1] =	stream.indirect_vreg.gather [hbm4b:s8+s16], $0x80, v3, vm0, $0xb8;
	[tilespmem:$0xC100] =	vst v63  }
0x67: {  	s19 =	simm.s32 $0x0  }
0x68: {  	[tilespmem:s14], [sflag:$0x1] =	stream.indirect_vreg.gather [hbm4b:s9+s16], $0x80, v3, vm0, $0xb8;
	[tilespmem:$0xC100] =	vst v63  }
0x69: {  	s17 =	smul.u32 $0x1800, s19;
	_ =	swait.ge [sflag:s25], $0x6000  }
0x6a: {  	s20 =	sand.u32 $0x380, s16;
	[sflag:s25] =	ssyncset.done $0x0  }
0x6b: {  	s17 =	sor.u32 s20, s17;
	[sflag:s25] =	ssyncadd.s32 $0xFFFFA000  }
0x6c: {  	v14 =	vld [tilespmem:s17+$0x6100]  }
0x6d: {  	v15 =	vld [tilespmem:s17+$0x6110]  }
0x6e: {  	v16 =	vld [tilespmem:s17+$0x6120]  }
0x6f: {  	v17 =	vld [tilespmem:s17+$0x6130]  }
0x70: {  	v18 =	vld [tilespmem:s17+$0x6140]  }
0x71: {  	v19 =	vld [tilespmem:s17+$0x6150]  }
0x72: {  	v20 =	vld [tilespmem:s17+$0x6160]  }
0x73: {  	v21 =	vld [tilespmem:s17+$0x6170]  }
0x74: {  	v22 =	vld [tilespmem:s17+$0x6500]  }
0x75: {  	v23 =	vld [tilespmem:s17+$0x6510]  }
0x76: {  	v24 =	vld [tilespmem:s17+$0x6520]  }
0x77: {  	v25 =	vld [tilespmem:s17+$0x6530]  }
0x78: {  	v26 =	vld [tilespmem:s17+$0x6540]  }
0x79: {  	v27 =	vld [tilespmem:s17+$0x6550]  }
0x7a: {  	v28 =	vld [tilespmem:s17+$0x6560]  }
0x7b: {  	v29 =	vld [tilespmem:s17+$0x6570]  }
0x7c: {  	v30 =	vld [tilespmem:s17+$0x6900]  }
0x7d: {  	v31 =	vld [tilespmem:s17+$0x6910]  }
0x7e: {  	v32 =	vld [tilespmem:s17+$0x6920]  }
0x7f: {  	v33 =	vld [tilespmem:s17+$0x6930]  }
0x80: {  	v34 =	vld [tilespmem:s17+$0x6940]  }
0x81: {  	v35 =	vld [tilespmem:s17+$0x6950]  }
0x82: {  	v36 =	vld [tilespmem:s17+$0x6960]  }
0x83: {  	v37 =	vld [tilespmem:s17+$0x6970]  }
0x84: {  	v38 =	vld [tilespmem:s17+$0x6D00]  }
0x85: {  	v39 =	vld [tilespmem:s17+$0x6D10]  }
0x86: {  	v40 =	vld [tilespmem:s17+$0x6D20]  }
0x87: {  	v41 =	vld [tilespmem:s17+$0x6D30]  }
0x88: {  	v42 =	vld [tilespmem:s17+$0x6D40]  }
0x89: {  	v43 =	vld [tilespmem:s17+$0x6D50]  }
0x8a: {  	v44 =	vld [tilespmem:s17+$0x6D60]  }
0x8b: {  	v45 =	vld [tilespmem:s17+$0x6D70]  }
0x8c: {  	v46 =	vld [tilespmem:s17+$0x7100]  }
0x8d: {  	v47 =	vld [tilespmem:s17+$0x7110]  }
0x8e: {  	v48 =	vld [tilespmem:s17+$0x7120]  }
0x8f: {  	v49 =	vld [tilespmem:s17+$0x7130]  }
0x90: {  	v50 =	vld [tilespmem:s17+$0x7140]  }
0x91: {  	v12 =	vld [tilespmem:s17+$0x7150]  }
0x92: {  	v13 =	vld [tilespmem:s17+$0x7160]  }
0x93: {  	v11 =	vld [tilespmem:s17+$0x7170]  }
0x94: {  	v10 =	vld [tilespmem:s17+$0x7500]  }
0x95: {  	v9 =	vld [tilespmem:s17+$0x7510]  }
0x96: {  	v8 =	vld [tilespmem:s17+$0x7520]  }
0x97: {  	v7 =	vld [tilespmem:s17+$0x7530]  }
0x98: {  	v6 =	vld [tilespmem:s17+$0x7540]  }
0x99: {  	v51 =	vld [tilespmem:s17+$0x100]  }
0x9a: {  	v52 =	vld [tilespmem:s17+$0x110]  }
0x9b: {  	v53 =	vld [tilespmem:s17+$0x120]  }
0x9c: {  	v54 =	vld [tilespmem:s17+$0x130]  }
0x9d: {  	v55 =	vld [tilespmem:s17+$0x140]  }
0x9e: {  	v61 =	vld [tilespmem:s17+$0x150];
	v14 =	vadd.f32 v14, v51  }
0x9f: {  	v62 =	vld [tilespmem:s17+$0x160];
	v15 =	vadd.f32 v15, v52  }
0xa0: {  	[tilespmem:s17+$0x100] =	vst v14;
	v14 =	vadd.f32 v16, v53;
	v16 =	vld [tilespmem:s17+$0x170]  }
0xa1: {  	[tilespmem:s17+$0x110] =	vst v15;
	v15 =	vadd.f32 v17, v54;
	v17 =	vld [tilespmem:s17+$0x500]  }
0xa2: {  	[tilespmem:s17+$0x120] =	vst v14;
	v14 =	vadd.f32 v18, v55;
	v18 =	vld [tilespmem:s17+$0x510]  }
0xa3: {  	[tilespmem:s17+$0x130] =	vst v15;
	v15 =	vadd.f32 v19, v61;
	v19 =	vld [tilespmem:s17+$0x520]  }
0xa4: {  	v5 =	vld [tilespmem:s17+$0x7550];
	[tilespmem:s17+$0x140] =	vst v14;
	v14 =	vadd.f32 v20, v62  }
0xa5: {  	[tilespmem:s17+$0x150] =	vst v15;
	v20 =	vld [tilespmem:s17+$0x570];
	v15 =	vadd.f32 v21, v16  }
0xa6: {  	v16 =	vld [tilespmem:s17+$0x530];
	[tilespmem:s17+$0x160] =	vst v14;
	v14 =	vadd.f32 v22, v17  }
0xa7: {  	v17 =	vld [tilespmem:s17+$0x540];
	[tilespmem:s17+$0x170] =	vst v15  }
0xa8: {  	v15 =	vadd.f32 v23, v18;
	v18 =	vadd.f32 v24, v19;
	[tilespmem:s17+$0x500] =	vst v14;
	v14 =	vld [tilespmem:s17+$0x550]  }
0xa9: {  	v19 =	vld [tilespmem:s17+$0x560]  }
0xaa: {  	[tilespmem:s17+$0x520] =	vst v18;
	v18 =	vld [tilespmem:s17+$0x910];
	v20 =	vadd.f32 v29, v20  }
0xab: {  	[tilespmem:s17+$0x510] =	vst v15;
	v15 =	vld [tilespmem:s17+$0x900];
	v16 =	vadd.f32 v25, v16  }
0xac: {  	v4 =	vld [tilespmem:s17+$0x7560];
	v17 =	vadd.f32 v26, v17;
	[tilespmem:s17+$0x570] =	vst v20  }
0xad: {  	[tilespmem:s17+$0x530] =	vst v16;
	v16 =	vld [tilespmem:s17+$0x920];
	v14 =	vadd.f32 v27, v14  }
0xae: {  	v19 =	vadd.f32 v28, v19;
	[tilespmem:s17+$0x540] =	vst v17;
	v17 =	vld [tilespmem:s17+$0x930]  }
0xaf: {  	v18 =	vadd.f32 v31, v18;
	[tilespmem:s17+$0x550] =	vst v14;
	v14 =	vld [tilespmem:s17+$0x940]  }
0xb0: {  	[tilespmem:s17+$0x560] =	vst v19;
	v15 =	vadd.f32 v30, v15;
	v19 =	vld [tilespmem:s17+$0x950]  }
0xb1: {  	[tilespmem:s17+$0x910] =	vst v18;
	v18 =	vld [tilespmem:s17+$0x960]  }
0xb2: {  	v20 =	vld [tilespmem:s17+$0x970];
	[tilespmem:s17+$0x900] =	vst v15;
	v15 =	vadd.f32 v32, v16  }
0xb3: {  	v16 =	vld [tilespmem:s17+$0xD00];
	v17 =	vadd.f32 v33, v17  }
0xb4: {  	[tilespmem:s17+$0x920] =	vst v15;
	v15 =	vld [tilespmem:s17+$0xD10];
	v14 =	vadd.f32 v34, v14  }
0xb5: {  	v19 =	vadd.f32 v35, v19;
	[tilespmem:s17+$0x930] =	vst v17;
	v17 =	vld [tilespmem:s17+$0xD20]  }
0xb6: {  	v18 =	vadd.f32 v36, v18;
	[tilespmem:s17+$0x940] =	vst v14;
	v14 =	vld [tilespmem:s17+$0xD30]  }
0xb7: {  	v20 =	vadd.f32 v37, v20;
	[tilespmem:s17+$0x950] =	vst v19;
	v19 =	vld [tilespmem:s17+$0xD40]  }
0xb8: {  	v16 =	vadd.f32 v38, v16;
	[tilespmem:s17+$0x960] =	vst v18;
	v18 =	vld [tilespmem:s17+$0xD50]  }
0xb9: {  	[tilespmem:s17+$0x970] =	vst v20;
	v20 =	vld [tilespmem:s17+$0xD70];
	v15 =	vadd.f32 v39, v15  }
0xba: {  	[tilespmem:s17+$0xD00] =	vst v16;
	v16 =	vadd.f32 v40, v17;
	v17 =	vld [tilespmem:s17+$0xD60]  }
0xbb: {  	[tilespmem:s17+$0xD10] =	vst v15;
	v15 =	vld [tilespmem:s17+$0x1100];
	v14 =	vadd.f32 v41, v14  }
0xbc: {  	v19 =	vadd.f32 v42, v19;
	[tilespmem:s17+$0xD20] =	vst v16;
	v16 =	vld [tilespmem:s17+$0x1110]  }
0xbd: {  	v18 =	vadd.f32 v43, v18;
	[tilespmem:s17+$0xD30] =	vst v14;
	v14 =	vld [tilespmem:s17+$0x1120]  }
0xbe: {  	v20 =	vadd.f32 v45, v20;
	[tilespmem:s17+$0xD40] =	vst v19;
	v19 =	vld [tilespmem:s17+$0x1130]  }
0xbf: {  	v17 =	vadd.f32 v44, v17;
	[tilespmem:s17+$0xD50] =	vst v18;
	v18 =	vld [tilespmem:s17+$0x1140]  }
0xc0: {  	v3 =	vld [tilespmem:s17+$0x7570];
	[tilespmem:s17+$0xD70] =	vst v20;
	v15 =	vadd.f32 v46, v15  }
0xc1: {  	v63 =	vld [tilespmem:s17+$0x1150];
	[tilespmem:s17+$0xD60] =	vst v17;
	v16 =	vadd.f32 v47, v16  }
0xc2: {  	v20 =	vld [tilespmem:s17+$0x1160];
	[tilespmem:s17+$0x1100] =	vst v15;
	v14 =	vadd.f32 v48, v14  }
0xc3: {  	v17 =	vld [tilespmem:s17+$0x1170];
	[tilespmem:s17+$0x1110] =	vst v16;
	v16 =	vadd.f32 v49, v19  }
0xc4: {  	v15 =	vld [tilespmem:s17+$0x1500];
	v18 =	vadd.f32 v50, v18;
	[tilespmem:s17+$0x1120] =	vst v14  }
0xc5: {  	v14 =	vld [tilespmem:s17+$0x1510];
	[tilespmem:s17+$0x1130] =	vst v16  }
0xc6: {  	v16 =	vld [tilespmem:s17+$0x1520];
	[tilespmem:s17+$0x1140] =	vst v18;
	v18 =	vadd.f32 v12, v63  }
0xc7: {  	p0 =	por p1, p1;
	s18 =	simm.s32 $0x1;
	v13 =	vadd.f32 v13, v20;
	v12 =	vld [tilespmem:s17+$0x1530]  }
.LBB2_3:
0xc8: {  	s19 =	sshrl.u32 s18, $0x3;
	p1 =	sne.s32 s18, $0x1F;
	[tilespmem:s17+$0x1150] =	vst v18;
	v11 =	vadd.f32 v11, v17;
	v17 =	vld [tilespmem:s17+$0x1540]  }
0xc9: {  	s16 =	sadd.s32 $0x80, s16;
	s19 =	smul.u32 $0x1800, s19;
	[tilespmem:s17+$0x1160] =	vst v13;
	v10 =	vadd.f32 v10, v15;
	v13 =	vld [tilespmem:s17+$0x1550]  }
0xca: {  	s20 =	sand.u32 $0x380, s16;
	[tilespmem:s17+$0x1170] =	vst v11;
	v9 =	vadd.f32 v9, v14;
	v11 =	vld [tilespmem:s17+$0x1560]  }
0xcb: {  	s19 =	sor.u32 s20, s19;
	[tilespmem:s17+$0x1500] =	vst v10;
	v8 =	vadd.f32 v8, v16;
	v10 =	vld [tilespmem:s17+$0x1570]  }
0xcc: {  	v39 =	vld [tilespmem:s19+$0x6100];
	[tilespmem:s17+$0x1510] =	vst v9;
	v7 =	vadd.f32 v7, v12  }
0xcd: {  	v40 =	vld [tilespmem:s19+$0x6110];
	[tilespmem:s17+$0x1520] =	vst v8;
	v6 =	vadd.f32 v6, v17  }
0xce: {  	v41 =	vld [tilespmem:s19+$0x6120];
	[tilespmem:s17+$0x1530] =	vst v7;
	v5 =	vadd.f32 v5, v13  }
0xcf: {  	v42 =	vld [tilespmem:s19+$0x6130];
	[tilespmem:s17+$0x1540] =	vst v6;
	v4 =	vadd.f32 v4, v11  }
0xd0: {  	v43 =	vld [tilespmem:s19+$0x6140];
	[tilespmem:s17+$0x1550] =	vst v5;
	v3 =	vadd.f32 v3, v10  }
0xd1: {  	v44 =	vld [tilespmem:s19+$0x6150];
	[tilespmem:s17+$0x1560] =	vst v4  }
0xd2: {  	v45 =	vld [tilespmem:s19+$0x6160];
	[tilespmem:s17+$0x1570] =	vst v3;
	s17 =	smov.u32 s19  }
0xd3: {  	v46 =	vld [tilespmem:s17+$0x6170]  }
0xd4: {  	v47 =	vld [tilespmem:s17+$0x6500]  }
0xd5: {  	v48 =	vld [tilespmem:s17+$0x6510]  }
0xd6: {  	v49 =	vld [tilespmem:s17+$0x6520]  }
0xd7: {  	v50 =	vld [tilespmem:s17+$0x6530]  }
0xd8: {  	v38 =	vld [tilespmem:s17+$0x6540]  }
0xd9: {  	v37 =	vld [tilespmem:s17+$0x6550]  }
0xda: {  	v36 =	vld [tilespmem:s17+$0x6560]  }
0xdb: {  	v35 =	vld [tilespmem:s17+$0x6570]  }
0xdc: {  	v34 =	vld [tilespmem:s17+$0x6900]  }
0xdd: {  	v33 =	vld [tilespmem:s17+$0x6910]  }
0xde: {  	v32 =	vld [tilespmem:s17+$0x6920]  }
0xdf: {  	v31 =	vld [tilespmem:s17+$0x6930]  }
0xe0: {  	v30 =	vld [tilespmem:s17+$0x6940]  }
0xe1: {  	v29 =	vld [tilespmem:s17+$0x6950]  }
0xe2: {  	v28 =	vld [tilespmem:s17+$0x6960]  }
0xe3: {  	v27 =	vld [tilespmem:s17+$0x6970]  }
0xe4: {  	v26 =	vld [tilespmem:s17+$0x6D00]  }
0xe5: {  	v25 =	vld [tilespmem:s17+$0x6D10]  }
0xe6: {  	v24 =	vld [tilespmem:s17+$0x6D20]  }
0xe7: {  	v23 =	vld [tilespmem:s17+$0x6D30]  }
0xe8: {  	v22 =	vld [tilespmem:s17+$0x6D40]  }
0xe9: {  	v21 =	vld [tilespmem:s17+$0x6D50]  }
0xea: {  	v20 =	vld [tilespmem:s17+$0x6D60]  }
0xeb: {  	v19 =	vld [tilespmem:s17+$0x6D70]  }
0xec: {  	v18 =	vld [tilespmem:s17+$0x7100]  }
0xed: {  	v17 =	vld [tilespmem:s17+$0x7110]  }
0xee: {  	v16 =	vld [tilespmem:s17+$0x7120]  }
0xef: {  	v15 =	vld [tilespmem:s17+$0x7130]  }
0xf0: {  	v14 =	vld [tilespmem:s17+$0x7140]  }
0xf1: {  	v13 =	vld [tilespmem:s17+$0x7150]  }
0xf2: {  	v12 =	vld [tilespmem:s17+$0x7160]  }
0xf3: {  	v11 =	vld [tilespmem:s17+$0x7170]  }
0xf4: {  	v10 =	vld [tilespmem:s17+$0x7500]  }
0xf5: {  	v9 =	vld [tilespmem:s17+$0x7510]  }
0xf6: {  	v8 =	vld [tilespmem:s17+$0x7520]  }
0xf7: {  	v7 =	vld [tilespmem:s17+$0x7530]  }
0xf8: {  	v6 =	vld [tilespmem:s17+$0x7540]  }
0xf9: {  	v5 =	vld [tilespmem:s17+$0x7550]  }
0xfa: {  	v4 =	vld [tilespmem:s17+$0x7560]  }
0xfb: {  	v3 =	vld [tilespmem:s17+$0x7570]  }
0xfc: {  	v51 =	vld [tilespmem:s17+$0x100]  }
0xfd: {  	v52 =	vld [tilespmem:s17+$0x110]  }
0xfe: {  	v53 =	vld [tilespmem:s17+$0x120]  }
0xff: {  	v54 =	vld [tilespmem:s17+$0x130]  }
0x100: {  	v55 =	vld [tilespmem:s17+$0x140]  }
0x101: {  	v39 =	vadd.f32 v39, v51;
	v51 =	vld [tilespmem:s17+$0x150]  }
0x102: {  	v40 =	vadd.f32 v40, v52;
	v52 =	vld [tilespmem:s17+$0x160]  }
0x103: {  	[tilespmem:s17+$0x100] =	vst v39;
	v39 =	vadd.f32 v41, v53;
	v41 =	vld [tilespmem:s17+$0x170]  }
0x104: {  	[tilespmem:s17+$0x110] =	vst v40;
	v40 =	vadd.f32 v42, v54;
	v42 =	vld [tilespmem:s17+$0x500]  }
0x105: {  	[tilespmem:s17+$0x120] =	vst v39;
	v39 =	vadd.f32 v43, v55;
	v43 =	vld [tilespmem:s17+$0x510]  }
0x106: {  	[tilespmem:s17+$0x130] =	vst v40;
	v40 =	vadd.f32 v44, v51;
	v44 =	vld [tilespmem:s17+$0x520]  }
0x107: {  	[tilespmem:s17+$0x140] =	vst v39;
	v39 =	vadd.f32 v45, v52;
	v45 =	vld [tilespmem:s17+$0x530]  }
0x108: {  	[tilespmem:s17+$0x150] =	vst v40;
	v40 =	vadd.f32 v46, v41;
	v41 =	vld [tilespmem:s17+$0x540]  }
0x109: {  	[tilespmem:s17+$0x160] =	vst v39;
	v39 =	vadd.f32 v47, v42;
	v42 =	vld [tilespmem:s17+$0x550]  }
0x10a: {  	[tilespmem:s17+$0x170] =	vst v40;
	v40 =	vadd.f32 v48, v43;
	v43 =	vld [tilespmem:s17+$0x560]  }
0x10b: {  	[tilespmem:s17+$0x500] =	vst v39;
	v39 =	vadd.f32 v49, v44;
	v44 =	vld [tilespmem:s17+$0x570]  }
0x10c: {  	[tilespmem:s17+$0x510] =	vst v40;
	v40 =	vadd.f32 v50, v45;
	v45 =	vld [tilespmem:s17+$0x900]  }
0x10d: {  	[tilespmem:s17+$0x520] =	vst v39;
	v38 =	vadd.f32 v38, v41;
	v39 =	vld [tilespmem:s17+$0x910]  }
0x10e: {  	[tilespmem:s17+$0x530] =	vst v40;
	v37 =	vadd.f32 v37, v42;
	v40 =	vld [tilespmem:s17+$0x920]  }
0x10f: {  	[tilespmem:s17+$0x540] =	vst v38;
	v36 =	vadd.f32 v36, v43;
	v38 =	vld [tilespmem:s17+$0x930]  }
0x110: {  	[tilespmem:s17+$0x550] =	vst v37;
	v35 =	vadd.f32 v35, v44;
	v37 =	vld [tilespmem:s17+$0x940]  }
0x111: {  	[tilespmem:s17+$0x560] =	vst v36;
	v34 =	vadd.f32 v34, v45;
	v36 =	vld [tilespmem:s17+$0x950]  }
0x112: {  	[tilespmem:s17+$0x570] =	vst v35;
	v33 =	vadd.f32 v33, v39;
	v35 =	vld [tilespmem:s17+$0x960]  }
0x113: {  	[tilespmem:s17+$0x900] =	vst v34;
	v32 =	vadd.f32 v32, v40;
	v34 =	vld [tilespmem:s17+$0x970]  }
0x114: {  	[tilespmem:s17+$0x910] =	vst v33;
	v31 =	vadd.f32 v31, v38;
	v33 =	vld [tilespmem:s17+$0xD00]  }
0x115: {  	[tilespmem:s17+$0x920] =	vst v32;
	v30 =	vadd.f32 v30, v37;
	v32 =	vld [tilespmem:s17+$0xD10]  }
0x116: {  	[tilespmem:s17+$0x930] =	vst v31;
	v29 =	vadd.f32 v29, v36;
	v31 =	vld [tilespmem:s17+$0xD20]  }
0x117: {  	[tilespmem:s17+$0x940] =	vst v30;
	v28 =	vadd.f32 v28, v35;
	v30 =	vld [tilespmem:s17+$0xD30]  }
0x118: {  	[tilespmem:s17+$0x950] =	vst v29;
	v27 =	vadd.f32 v27, v34;
	v29 =	vld [tilespmem:s17+$0xD40]  }
0x119: {  	[tilespmem:s17+$0x960] =	vst v28;
	v26 =	vadd.f32 v26, v33;
	v28 =	vld [tilespmem:s17+$0xD50]  }
0x11a: {  	[tilespmem:s17+$0x970] =	vst v27;
	v25 =	vadd.f32 v25, v32;
	v27 =	vld [tilespmem:s17+$0xD60]  }
0x11b: {  	[tilespmem:s17+$0xD00] =	vst v26;
	v24 =	vadd.f32 v24, v31;
	v26 =	vld [tilespmem:s17+$0xD70]  }
0x11c: {  	[tilespmem:s17+$0xD10] =	vst v25;
	v23 =	vadd.f32 v23, v30;
	v25 =	vld [tilespmem:s17+$0x1100]  }
0x11d: {  	[tilespmem:s17+$0xD20] =	vst v24;
	v22 =	vadd.f32 v22, v29;
	v24 =	vld [tilespmem:s17+$0x1110]  }
0x11e: {  	[tilespmem:s17+$0xD30] =	vst v23;
	v21 =	vadd.f32 v21, v28;
	v23 =	vld [tilespmem:s17+$0x1120]  }
0x11f: {  	[tilespmem:s17+$0xD40] =	vst v22;
	v20 =	vadd.f32 v20, v27;
	v22 =	vld [tilespmem:s17+$0x1130]  }
0x120: {  	[tilespmem:s17+$0xD50] =	vst v21;
	v19 =	vadd.f32 v19, v26;
	v21 =	vld [tilespmem:s17+$0x1140]  }
0x121: {  	[tilespmem:s17+$0xD60] =	vst v20;
	v18 =	vadd.f32 v18, v25;
	v20 =	vld [tilespmem:s17+$0x1150]  }
0x122: {  	[tilespmem:s17+$0xD70] =	vst v19;
	v19 =	vadd.f32 v17, v24;
	v24 =	vld [tilespmem:s17+$0x1160]  }
.Ltmp0:
0x123: {  	[tilespmem:s17+$0x1100] =	vst v18;
	v16 =	vadd.f32 v16, v23;
	v17 =	vld [tilespmem:s17+$0x1170];
	(pc) =	sbr.rel @p1 .LBB2_3-.Ltmp0, $4  }
0x124: {  	[tilespmem:s17+$0x1110] =	vst v19;
	v18 =	vadd.f32 v15, v22;
	v15 =	vld [tilespmem:s17+$0x1500]  }
0x125: {  	[tilespmem:s17+$0x1120] =	vst v16;
	v19 =	vadd.f32 v14, v21;
	v14 =	vld [tilespmem:s17+$0x1510]  }
0x126: {  	[tilespmem:s17+$0x1130] =	vst v18;
	v18 =	vadd.f32 v13, v20;
	v16 =	vld [tilespmem:s17+$0x1520]  }
0x127: {  	s18 =	sadd.s32 $0x1, s18;
	[tilespmem:s17+$0x1140] =	vst v19;
	v13 =	vadd.f32 v12, v24;
	v12 =	vld [tilespmem:s17+$0x1530]  }
0x128: {  	[tilespmem:s17+$0x1150] =	vst v18;
	v60 =	vld [tilespmem:s17+$0x1540];
	v11 =	vadd.f32 v11, v17  }
0x129: {  	v61 =	vld [tilespmem:s17+$0x1550];
	[tilespmem:s17+$0x1160] =	vst v13;
	v10 =	vadd.f32 v10, v15  }
0x12a: {  	v62 =	vld [tilespmem:s17+$0x1560];
	[tilespmem:s17+$0x1170] =	vst v11;
	v9 =	vadd.f32 v9, v14  }
0x12b: {  	v63 =	vld [tilespmem:s17+$0x1570];
	[tilespmem:s17+$0x1500] =	vst v10;
	v8 =	vadd.f32 v8, v16  }
0x12c: {  	[tilespmem:s17+$0x1510] =	vst v9;
	v7 =	vadd.f32 v7, v12  }
0x12d: {  	[tilespmem:s17+$0x1520] =	vst v8;
	v6 =	vadd.f32 v6, v60  }
0x12e: {  	v5 =	vadd.f32 v5, v61;
	[tilespmem:s17+$0x1530] =	vst v7  }
0x12f: {  	v4 =	vadd.f32 v4, v62;
	[tilespmem:s17+$0x1540] =	vst v6  }
0x130: {  	s15 =	smul.u32 $0x300, s15;
	v3 =	vadd.f32 v3, v63;
	[tilespmem:s17+$0x1550] =	vst v5  }
0x131: {  	s16 =	rddreg [dreg:$0x1];
	[tilespmem:s17+$0x1560] =	vst v4  }
.Ltmp1:
0x132: {  	s20 =	simm.s32 $0x0;
	s15 =	sadd.s32 s16, s15;
	[tilespmem:s17+$0x1570] =	vst v3;
	(pc) =	sbr.rel @p0 .LBB2_2-.Ltmp1, $4  }
0x133: {  	[hbm4b:s15+s20] =	stream.linear.scatter [tilespmem:s13], [sflag:$0x2], $0x6000, $0x38;
	[tilespmem:$0xC100] =	vst v63  }
0x134: {  	_ =	swait.ge [sflag:s11], $0x6000  }
0x135: {  	[sflag:s11] =	ssyncset.done $0x0  }
0x136: {  	p1 =	por $0x0, $0x0;
	s15 =	simm.s32 $0x4;
	[sflag:s11] =	ssyncadd.s32 $0xFFFFA000  }
0x137: {  	s16 =	rddreg [dreg:$0x4]  }
0x138: {  	s15 =	rddreg [dreg:$0x3];
	s16 =	sadd.s32 $0x1, s16  }
0x139: {  	p0 =	sne.s32 s16, s15  }
.Ltmp2:
0x13a: {  	_ = 	snop;
	(pc) =	sbr.rel @p0 .LBB2_1-.Ltmp2, $1  }
0x13b: {  	_ =	sdelay $0x3  }
0x13c: {  	_ =	sfence.sel $0x180000  }
0x13d: {  	[bflag:$0x0] =	sbarrier.arrive $0xFFFF  }
0x13e: {  	_ =	strace $0x9000004A  }
0x13f: {  	s0 =	stileid.u32;
	[bflag:$0x2] =	sbarrier.arrive $0xFFFF  }
0x140: {  	p0 =	sne.s32 s0, $0x0;
	s0 =	rddreg [dreg:$0x2]  }
0x141: {  	s0 =	sadd.s32 @!p0 $0x100000, s0  }
0x142: {  	[sflag:s0] =	ssyncadd.tile.s32 @!p0 $0x1;
	_ =	shalt  }
.Lfunc_end2:
_tile_overlayer_lowered:
.L_overlay_start_2:
0x143: {  	(tag) =	ssettag $0x2  }
0x144: {  	s0 =	rddreg [dreg:$0x0];
	s2 =	stileid.u32  }
0x145: {  	s1 =	rddreg [dreg:$0x1];
	p0 =	sne.s32 s2, $0x0  }
0x146: {  	s3 =	rddreg [dreg:$0x2];
	[bflag:$0x3] =	sbarrier.arrive $0xFFFF;
	s2 =	simm.s32 @!p0 $0x1C02  }
0x147: {  	[timem:s3], [sflag:s2] =	dma.local @!p0 [hbm:s0], s1  }
0x148: {  	s0 =	simm.s32 @!p0 $0x2  }
0x149: {  	_ =	swait.ge @!p0 [sflag:s0], s1  }
0x14a: {  	s1 =	ssub.s32 @!p0 $0x0, s1;
	[sflag:s0] =	ssyncset.done @!p0 $0x0  }
0x14b: {  	[sflag:s0] =	ssyncadd.s32 @!p0 s1  }
0x14c: {  	[bflag:$0x3] =	sbarrier.arrive $0xFFFF  }
0x14d: {  	_ =	shalt  }

</sc_bundles>
